<compile_context>
chip_gen: v7x
topology: tpu7x:2x2x1
jax: 0.10.2.dev20260603
libtpu: 0.0.44.dev20260713+nightly
codegen_flags: <defaults>
</compile_context>

<pallas_src>
import functools

import jax
import jax.numpy as jnp
from jax import lax
from jax.experimental import pallas as pl
from jax.experimental.pallas import tpu as pltpu
from jax.experimental.pallas import tpu_sc as plsc

_N_TOK = 8192
_D = 2048
_SQRT_K = 8
_NUM_EXPERTS = 64
_TOP_K = 8
_GATE_RANK = 16

_BLK = 1024
_NC = 2
_NS = 16
_NW = _NC * _NS
_CHUNKS = 1
_CTOK = _N_TOK // _CHUNKS
_TPW = _CTOK // _NW


def _dense_body(x_ref, wct_ref, gt_ref, sel_ref, tot_ref):
    x = x_ref[...].astype(jnp.bfloat16)
    y = jnp.dot(x, wct_ref[...].astype(jnp.bfloat16),
                preferred_element_type=jnp.float32)
    s1 = y[:, 0:_SQRT_K]
    s2 = y[:, _SQRT_K:2 * _SQRT_K]
    qg = y[:, 2 * _SQRT_K:]

    col = lax.broadcasted_iota(jnp.int32, (_SQRT_K, _NUM_EXPERTS), 1)
    row = lax.broadcasted_iota(jnp.int32, (_SQRT_K, _NUM_EXPERTS), 0)
    a = ((col // _SQRT_K) == row).astype(jnp.float32)
    b = ((col % _SQRT_K) == row).astype(jnp.float32)
    hi = lax.Precision.HIGHEST
    sel = (jnp.dot(s1, a, precision=hi, preferred_element_type=jnp.float32)
           + jnp.dot(s2, b, precision=hi, preferred_element_type=jnp.float32))
    gate = jnp.dot(qg.astype(jnp.bfloat16), gt_ref[...].astype(jnp.bfloat16),
                   preferred_element_type=jnp.float32)
    sel_ref[...] = sel
    tot_ref[...] = sel + gate


_sc_mesh = plsc.VectorSubcoreMesh(core_axis_name="c", subcore_axis_name="s")


@functools.partial(
    pl.kernel,
    mesh=_sc_mesh,
    out_type=[
        jax.ShapeDtypeStruct((_CTOK * _TOP_K,), jnp.int32),
        jax.ShapeDtypeStruct((_CTOK * _TOP_K,), jnp.float32),
    ],
    scratch_types=[
        pltpu.VMEM((_TPW * _NUM_EXPERTS,), jnp.float32),
        pltpu.VMEM((_TPW * _NUM_EXPERTS,), jnp.float32),
        pltpu.VMEM((_TPW * _TOP_K + 8,), jnp.int32),
        pltpu.VMEM((_TPW * _TOP_K + 8,), jnp.float32),
        pltpu.SemaphoreType.DMA,
    ],
    compiler_params=pltpu.CompilerParams(needs_layout_passes=False),
)
def _sc_router(sel_hbm, tot_hbm, idx_hbm, wts_hbm,
               sel_v, tot_v, idx_v, wts_v, sem):
    wid = lax.axis_index("s") * _NC + lax.axis_index("c")
    in_base = wid * _TPW * _NUM_EXPERTS
    out_base = wid * _TPW * _TOP_K
    cp1 = pltpu.async_copy(sel_hbm.at[pl.ds(in_base, _TPW * _NUM_EXPERTS)],
                           sel_v, sem)
    cp2 = pltpu.async_copy(tot_hbm.at[pl.ds(in_base, _TPW * _NUM_EXPERTS)],
                           tot_v, sem)
    cp1.wait()
    cp2.wait()

    lane = lax.iota(jnp.int32, 16)
    low8 = lane < 8

    def merge(pk, pv, qk, qv):
        rk = lax.rev(qk, (0,))
        rv = lax.rev(qv, (0,))
        take = pk >= rk
        return plsc.sort_key_val(jnp.where(take, pk, rk),
                                 jnp.where(take, pv, rv),
                                 descending=True)

    def one_token(t):
        base = t * _NUM_EXPERTS
        parts = []
        for c in range(4):
            k = sel_v[pl.ds(base + 16 * c, 16)]
            i = lane + 16 * c
            parts.append(plsc.sort_key_val(k, i, descending=True))
        m01 = merge(parts[0][0], parts[0][1], parts[1][0], parts[1][1])
        m23 = merge(parts[2][0], parts[2][1], parts[3][0], parts[3][1])
        fk, fi = merge(m01[0], m01[1], m23[0], m23[1])
        tv = plsc.load_gather(tot_v, [base + fi])
        mx = jnp.max(jnp.where(low8, tv, -3.4e38), axis=0)
        e = jnp.where(low8, jnp.exp(tv - mx), 0.0)
        w = e / jnp.sum(e, axis=0)
        plsc.store_compressed(idx_v.at[pl.ds(t * _TOP_K, 16)], fi, mask=low8)
        plsc.store_compressed(wts_v.at[pl.ds(t * _TOP_K, 16)], w, mask=low8)

    @plsc.parallel_loop(0, _TPW, step=1, unroll=4)
    def _loop(t):
        one_token(t)

    pltpu.async_copy(idx_v.at[pl.ds(0, _TPW * _TOP_K)],
                     idx_hbm.at[pl.ds(out_base, _TPW * _TOP_K)], sem).wait()
    pltpu.async_copy(wts_v.at[pl.ds(0, _TPW * _TOP_K)],
                     wts_hbm.at[pl.ds(out_base, _TPW * _TOP_K)], sem).wait()


def _dense_chunk(xc, wct, gt):
    grid = (_CTOK // _BLK,)
    return pl.pallas_call(
        _dense_body,
        grid=grid,
        in_specs=[
            pl.BlockSpec((_BLK, _D), lambda i: (i, 0)),
            pl.BlockSpec((_D, 2 * _SQRT_K + _GATE_RANK), lambda i: (0, 0)),
            pl.BlockSpec((_GATE_RANK, _NUM_EXPERTS), lambda i: (0, 0)),
        ],
        out_specs=[
            pl.BlockSpec((_BLK, _NUM_EXPERTS), lambda i: (i, 0)),
            pl.BlockSpec((_BLK, _NUM_EXPERTS), lambda i: (i, 0)),
        ],
        out_shape=[
            jax.ShapeDtypeStruct((_CTOK, _NUM_EXPERTS), jnp.float32),
            jax.ShapeDtypeStruct((_CTOK, _NUM_EXPERTS), jnp.float32),
        ],
        compiler_params=pltpu.CompilerParams(
            dimension_semantics=("arbitrary",),
        ),
    )(xc, wct, gt)


@jax.jit
def kernel(x, W1, W2, Wg, G):
    wct = jnp.concatenate([W1, W2, Wg], axis=0).T
    gt = G.T
    sels, idxs, wtss = [], [], []
    for ch in range(_CHUNKS):
        xc = lax.slice_in_dim(x, ch * _CTOK, (ch + 1) * _CTOK, axis=0)
        sel, tot = _dense_chunk(xc, wct, gt)
        idx_flat, wts_flat = _sc_router(sel.reshape(-1), tot.reshape(-1))
        sels.append(sel)
        idxs.append(idx_flat.reshape(_CTOK, _TOP_K))
        wtss.append(wts_flat.reshape(_CTOK, _TOP_K))
    if _CHUNKS == 1:
        return idxs[0], wtss[0], sels[0]
    return (jnp.concatenate(idxs, axis=0),
            jnp.concatenate(wtss, axis=0),
            jnp.concatenate(sels, axis=0))

# --- scband reference (transcript-rebuilt; emitter-appended) ---
"""Pipeline reference for scband-two-stage-pkrouter-9620726743480 (READ-ONLY COPY).

The authoritative reference and input builder live on the scoring server;
editing this copy changes nothing except your own understanding.
"""

import jax, jax.numpy as jnp
import numpy as np

N_TOK = 8192
D = 2048
SQRT_K = 8
NUM_EXPERTS = 64
TOP_K = 8
GATE_RANK = 16


def setup_inputs(seed: int = 0) -> dict:
    key = jax.random.key(seed)
    ks = jax.random.split(key, 5)
    x = jax.random.normal(ks[0], (N_TOK, D), dtype=jnp.float32)
    # torch nn.Linear weights have shape [out_features, in_features]
    lim = 1.0 / np.sqrt(D)
    W1 = jax.random.uniform(ks[1], (SQRT_K, D), dtype=jnp.float32, minval=-lim, maxval=lim)
    W2 = jax.random.uniform(ks[2], (SQRT_K, D), dtype=jnp.float32, minval=-lim, maxval=lim)
    Wg = jax.random.uniform(ks[3], (GATE_RANK, D), dtype=jnp.float32, minval=-lim, maxval=lim)
    G = jax.random.normal(ks[4], (NUM_EXPERTS, GATE_RANK), dtype=jnp.float32) * 0.01
    return {"x": x, "W1": W1, "W2": W2, "Wg": Wg, "G": G}


def reference(x, W1, W2, Wg, G):
    # Stage 1: product-key selection scores
    s1 = x @ W1.T  # [N, sqrt_K]
    s2 = x @ W2.T  # [N, sqrt_K]
    select_scores = (s1[:, :, None] + s2[:, None, :]).reshape(x.shape[0], SQRT_K * SQRT_K)  # [N, K]
    select_topk_vals, topk_idx = jax.lax.top_k(select_scores, TOP_K)
    # Stage 2: low-rank gate calibration on the selected indices
    q_g = x @ Wg.T                 # [N, gate_rank]
    gate_full = q_g @ G.T          # [N, K]
    gate_topk = jnp.take_along_axis(gate_full, topk_idx, axis=-1)  # [N, top_k]
    combined = select_topk_vals + gate_topk
    topk_weights = jax.nn.softmax(combined, axis=-1)
    return topk_idx, topk_weights, select_scores

if __name__ == "__main__":
    import jax
    _d = setup_inputs()
    print(jax.jit(kernel)(*tuple(_d.values())))

</pallas_src>

<mosaic_0001>
#map = affine_map<(d0, d1) -> (0)>
module attributes {stable_mosaic.version = 14 : i64} {
  func.func @_sc_router(%arg0: i32, %arg1: i32, %arg2: memref<524288xf32, #tpu.memory_space<hbm>>, %arg3: memref<524288xf32, #tpu.memory_space<hbm>>, %arg4: memref<65536xi32, #tpu.memory_space<hbm>>, %arg5: memref<65536xf32, #tpu.memory_space<hbm>>, %arg6: memref<16384xf32, #tpu.memory_space<vmem>>, %arg7: memref<16384xf32, #tpu.memory_space<vmem>>, %arg8: memref<2056xi32, #tpu.memory_space<vmem>>, %arg9: memref<2056xf32, #tpu.memory_space<vmem>>, %arg10: memref<!tpu.dma_semaphore, #tpu.memory_space<semaphore_mem>>) attributes {dimension_semantics = [#tpu.dimension_semantics<core_parallel>, #tpu.dimension_semantics<subcore_parallel>], iteration_bounds = array<i64: 2, 16>, scalar_prefetch = 0 : i64, scratch_operands = 5 : i64, tpu.core_type = #tpu.core_type<sc_vector_subcore>, window_params = [{transform_indices = #map}, {transform_indices = #map}, {transform_indices = #map}, {transform_indices = #map}]} {
    %mul3A = arith.constant 2 : i32
    %mul3A_0 = arith.muli %arg1, %mul3A : i32
    %add3A = arith.addi %mul3A_0, %arg0 : i32
    %mul3A_1 = arith.constant 256 : i32
    %mul3A_2 = arith.muli %add3A, %mul3A_1 : i32
    %mul3A_3 = arith.constant 64 : i32
    %mul3A_4 = arith.muli %mul3A_2, %mul3A_3 : i32
    %mul3A_5 = arith.constant 256 : i32
    %mul3A_6 = arith.muli %add3A, %mul3A_5 : i32
    %mul3A_7 = arith.constant 8 : i32
    %mul3A_8 = arith.muli %mul3A_6, %mul3A_7 : i32
    %dma_start3A = tpu.memref_slice %arg2[%mul3A_4] : memref<524288xf32, #tpu.memory_space<hbm>> -> memref<16384xf32, #tpu.memory_space<hbm>>
    %dma_start3A_9 = tpu.memref_slice %arg2[%mul3A_4] : memref<524288xf32, #tpu.memory_space<hbm>> -> memref<16384xf32, #tpu.memory_space<hbm>>
    tpu.enqueue_dma source(%dma_start3A_9 : memref<16384xf32, #tpu.memory_space<hbm>>) target(%arg6 : memref<16384xf32, #tpu.memory_space<vmem>>) target_semaphore(%arg10 : memref<!tpu.dma_semaphore, #tpu.memory_space<semaphore_mem>>)
    %dma_start3A_10 = tpu.memref_slice %arg3[%mul3A_4] : memref<524288xf32, #tpu.memory_space<hbm>> -> memref<16384xf32, #tpu.memory_space<hbm>>
    %dma_start3A_11 = tpu.memref_slice %arg3[%mul3A_4] : memref<524288xf32, #tpu.memory_space<hbm>> -> memref<16384xf32, #tpu.memory_space<hbm>>
    tpu.enqueue_dma source(%dma_start3A_11 : memref<16384xf32, #tpu.memory_space<hbm>>) target(%arg7 : memref<16384xf32, #tpu.memory_space<vmem>>) target_semaphore(%arg10 : memref<!tpu.dma_semaphore, #tpu.memory_space<semaphore_mem>>)
    %dma_wait3A = tpu.memref_slice %arg2[%mul3A_4] : memref<524288xf32, #tpu.memory_space<hbm>> -> memref<16384xf32, #tpu.memory_space<hbm>>
    %dma_wait3A_12 = tpu.memref_slice %arg2[%mul3A_4] : memref<524288xf32, #tpu.memory_space<hbm>> -> memref<16384xf32, #tpu.memory_space<hbm>>
    tpu.wait_dma2 semaphore(%arg10 : memref<!tpu.dma_semaphore, #tpu.memory_space<semaphore_mem>>) src(%dma_wait3A_12 : memref<16384xf32, #tpu.memory_space<hbm>>) dst(%arg6 : memref<16384xf32, #tpu.memory_space<vmem>>)
    %dma_wait3A_13 = tpu.memref_slice %arg3[%mul3A_4] : memref<524288xf32, #tpu.memory_space<hbm>> -> memref<16384xf32, #tpu.memory_space<hbm>>
    %dma_wait3A_14 = tpu.memref_slice %arg3[%mul3A_4] : memref<524288xf32, #tpu.memory_space<hbm>> -> memref<16384xf32, #tpu.memory_space<hbm>>
    tpu.wait_dma2 semaphore(%arg10 : memref<!tpu.dma_semaphore, #tpu.memory_space<semaphore_mem>>) src(%dma_wait3A_14 : memref<16384xf32, #tpu.memory_space<hbm>>) dst(%arg7 : memref<16384xf32, #tpu.memory_space<vmem>>)
    %iota3A = tpu.iota {dimensions = array<i32: 0>} : vector<16xi32>
    %lt3A = arith.constant 8 : i32
    %lt3A_15 = vector.broadcast %lt3A : i32 to vector<16xi32>
    %lt3A_16 = arith.cmpi slt, %iota3A, %lt3A_15 : vector<16xi32>
    %parallel_loop3A = arith.constant 0 : i32
    %parallel_loop3A_17 = arith.constant 256 : i32
    %parallel_loop3A_18 = arith.constant 1 : i32
    scf.for %parallel_loop3A_43 = %parallel_loop3A to %parallel_loop3A_17 step %parallel_loop3A_18  : i32 {
      %parallel_loop3A_44 = arith.constant 64 : i32
      %parallel_loop3A_45 = arith.muli %parallel_loop3A_43, %parallel_loop3A_44 : i32
      %parallel_loop3A_46 = arith.constant 0 : i32
      %parallel_loop3A_47 = arith.addi %parallel_loop3A_45, %parallel_loop3A_46 : i32
      %parallel_loop3A_48 = arith.index_cast %parallel_loop3A_47 : i32 to index
      %parallel_loop3A_49 = tpu.vector_load %arg6[%parallel_loop3A_48] {strides = array<i32>} : memref<16384xf32, #tpu.memory_space<vmem>>, vector<16xf32>,
      %parallel_loop3A_50 = arith.constant 0 : i32
      %parallel_loop3A_51 = vector.broadcast %parallel_loop3A_50 : i32 to vector<16xi32>
      %parallel_loop3A_52 = arith.addi %iota3A, %parallel_loop3A_51 : vector<16xi32>
      %parallel_loop3A_53 = arith.constant dense<true> : vector<16xi1>
      %parallel_loop3A_54, %parallel_loop3A_55, %parallel_loop3A_56 = tpu.sort %parallel_loop3A_49, %parallel_loop3A_52 masked %parallel_loop3A_53 {descending = true} : (vector<16xf32>, vector<16xi32>, vector<16xi1>) -> (vector<16xi1>, vector<16xf32>, vector<16xi32>)
      %parallel_loop3A_57 = arith.constant 16 : i32
      %parallel_loop3A_58 = arith.addi %parallel_loop3A_45, %parallel_loop3A_57 : i32
      %parallel_loop3A_59 = arith.index_cast %parallel_loop3A_58 : i32 to index
      %parallel_loop3A_60 = tpu.vector_load %arg6[%parallel_loop3A_59] {strides = array<i32>} : memref<16384xf32, #tpu.memory_space<vmem>>, vector<16xf32>,
      %parallel_loop3A_61 = arith.constant 16 : i32
      %parallel_loop3A_62 = vector.broadcast %parallel_loop3A_61 : i32 to vector<16xi32>
      %parallel_loop3A_63 = arith.addi %iota3A, %parallel_loop3A_62 : vector<16xi32>
      %parallel_loop3A_64 = arith.constant dense<true> : vector<16xi1>
      %parallel_loop3A_65, %parallel_loop3A_66, %parallel_loop3A_67 = tpu.sort %parallel_loop3A_60, %parallel_loop3A_63 masked %parallel_loop3A_64 {descending = true} : (vector<16xf32>, vector<16xi32>, vector<16xi1>) -> (vector<16xi1>, vector<16xf32>, vector<16xi32>)
      %parallel_loop3A_68 = arith.constant 32 : i32
      %parallel_loop3A_69 = arith.addi %parallel_loop3A_45, %parallel_loop3A_68 : i32
      %parallel_loop3A_70 = arith.index_cast %parallel_loop3A_69 : i32 to index
      %parallel_loop3A_71 = tpu.vector_load %arg6[%parallel_loop3A_70] {strides = array<i32>} : memref<16384xf32, #tpu.memory_space<vmem>>, vector<16xf32>,
      %parallel_loop3A_72 = arith.constant 32 : i32
      %parallel_loop3A_73 = vector.broadcast %parallel_loop3A_72 : i32 to vector<16xi32>
      %parallel_loop3A_74 = arith.addi %iota3A, %parallel_loop3A_73 : vector<16xi32>
      %parallel_loop3A_75 = arith.constant dense<true> : vector<16xi1>
      %parallel_loop3A_76, %parallel_loop3A_77, %parallel_loop3A_78 = tpu.sort %parallel_loop3A_71, %parallel_loop3A_74 masked %parallel_loop3A_75 {descending = true} : (vector<16xf32>, vector<16xi32>, vector<16xi1>) -> (vector<16xi1>, vector<16xf32>, vector<16xi32>)
      %parallel_loop3A_79 = arith.constant 48 : i32
      %parallel_loop3A_80 = arith.addi %parallel_loop3A_45, %parallel_loop3A_79 : i32
      %parallel_loop3A_81 = arith.index_cast %parallel_loop3A_80 : i32 to index
      %parallel_loop3A_82 = tpu.vector_load %arg6[%parallel_loop3A_81] {strides = array<i32>} : memref<16384xf32, #tpu.memory_space<vmem>>, vector<16xf32>,
      %parallel_loop3A_83 = arith.constant 48 : i32
      %parallel_loop3A_84 = vector.broadcast %parallel_loop3A_83 : i32 to vector<16xi32>
      %parallel_loop3A_85 = arith.addi %iota3A, %parallel_loop3A_84 : vector<16xi32>
      %parallel_loop3A_86 = arith.constant dense<true> : vector<16xi1>
      %parallel_loop3A_87, %parallel_loop3A_88, %parallel_loop3A_89 = tpu.sort %parallel_loop3A_82, %parallel_loop3A_85 masked %parallel_loop3A_86 {descending = true} : (vector<16xf32>, vector<16xi32>, vector<16xi1>) -> (vector<16xi1>, vector<16xf32>, vector<16xi32>)
      %parallel_loop3A_90 = arith.constant 15 : i32
      %parallel_loop3A_91 = vector.broadcast %parallel_loop3A_90 : i32 to vector<16xi32>
      %parallel_loop3A_92 = tpu.iota {dimensions = array<i32: 0>} : vector<16xi32>
      %parallel_loop3A_93 = arith.subi %parallel_loop3A_91, %parallel_loop3A_92 : vector<16xi32>
      %parallel_loop3A_94 = tpu.dynamic_gather %parallel_loop3A_66[%parallel_loop3A_93] in [0] : vector<16xf32>, vector<16xi32> -> vector<16xf32>
      %parallel_loop3A_95 = arith.constant 15 : i32
      %parallel_loop3A_96 = vector.broadcast %parallel_loop3A_95 : i32 to vector<16xi32>
      %parallel_loop3A_97 = tpu.iota {dimensions = array<i32: 0>} : vector<16xi32>
      %parallel_loop3A_98 = arith.subi %parallel_loop3A_96, %parallel_loop3A_97 : vector<16xi32>
      %parallel_loop3A_99 = tpu.dynamic_gather %parallel_loop3A_67[%parallel_loop3A_98] in [0] : vector<16xi32>, vector<16xi32> -> vector<16xi32>
      %parallel_loop3A_100 = arith.cmpf oge, %parallel_loop3A_55, %parallel_loop3A_94 : vector<16xf32>
      %parallel_loop3A_101 = arith.select %parallel_loop3A_100, %parallel_loop3A_55, %parallel_loop3A_94 : vector<16xi1>, vector<16xf32>
      %parallel_loop3A_102 = arith.select %parallel_loop3A_100, %parallel_loop3A_56, %parallel_loop3A_99 : vector<16xi1>, vector<16xi32>
      %parallel_loop3A_103 = arith.constant dense<true> : vector<16xi1>
      %parallel_loop3A_104, %parallel_loop3A_105, %parallel_loop3A_106 = tpu.sort %parallel_loop3A_101, %parallel_loop3A_102 masked %parallel_loop3A_103 {descending = true} : (vector<16xf32>, vector<16xi32>, vector<16xi1>) -> (vector<16xi1>, vector<16xf32>, vector<16xi32>)
      %parallel_loop3A_107 = arith.constant 15 : i32
      %parallel_loop3A_108 = vector.broadcast %parallel_loop3A_107 : i32 to vector<16xi32>
      %parallel_loop3A_109 = tpu.iota {dimensions = array<i32: 0>} : vector<16xi32>
      %parallel_loop3A_110 = arith.subi %parallel_loop3A_108, %parallel_loop3A_109 : vector<16xi32>
      %parallel_loop3A_111 = tpu.dynamic_gather %parallel_loop3A_88[%parallel_loop3A_110] in [0] : vector<16xf32>, vector<16xi32> -> vector<16xf32>
      %parallel_loop3A_112 = arith.constant 15 : i32
      %parallel_loop3A_113 = vector.broadcast %parallel_loop3A_112 : i32 to vector<16xi32>
      %parallel_loop3A_114 = tpu.iota {dimensions = array<i32: 0>} : vector<16xi32>
      %parallel_loop3A_115 = arith.subi %parallel_loop3A_113, %parallel_loop3A_114 : vector<16xi32>
      %parallel_loop3A_116 = tpu.dynamic_gather %parallel_loop3A_89[%parallel_loop3A_115] in [0] : vector<16xi32>, vector<16xi32> -> vector<16xi32>
      %parallel_loop3A_117 = arith.cmpf oge, %parallel_loop3A_77, %parallel_loop3A_111 : vector<16xf32>
      %parallel_loop3A_118 = arith.select %parallel_loop3A_117, %parallel_loop3A_77, %parallel_loop3A_111 : vector<16xi1>, vector<16xf32>
      %parallel_loop3A_119 = arith.select %parallel_loop3A_117, %parallel_loop3A_78, %parallel_loop3A_116 : vector<16xi1>, vector<16xi32>
      %parallel_loop3A_120 = arith.constant dense<true> : vector<16xi1>
      %parallel_loop3A_121, %parallel_loop3A_122, %parallel_loop3A_123 = tpu.sort %parallel_loop3A_118, %parallel_loop3A_119 masked %parallel_loop3A_120 {descending = true} : (vector<16xf32>, vector<16xi32>, vector<16xi1>) -> (vector<16xi1>, vector<16xf32>, vector<16xi32>)
      %parallel_loop3A_124 = arith.constant 15 : i32
      %parallel_loop3A_125 = vector.broadcast %parallel_loop3A_124 : i32 to vector<16xi32>
      %parallel_loop3A_126 = tpu.iota {dimensions = array<i32: 0>} : vector<16xi32>
      %parallel_loop3A_127 = arith.subi %parallel_loop3A_125, %parallel_loop3A_126 : vector<16xi32>
      %parallel_loop3A_128 = tpu.dynamic_gather %parallel_loop3A_122[%parallel_loop3A_127] in [0] : vector<16xf32>, vector<16xi32> -> vector<16xf32>
      %parallel_loop3A_129 = arith.constant 15 : i32
      %parallel_loop3A_130 = vector.broadcast %parallel_loop3A_129 : i32 to vector<16xi32>
      %parallel_loop3A_131 = tpu.iota {dimensions = array<i32: 0>} : vector<16xi32>
      %parallel_loop3A_132 = arith.subi %parallel_loop3A_130, %parallel_loop3A_131 : vector<16xi32>
      %parallel_loop3A_133 = tpu.dynamic_gather %parallel_loop3A_123[%parallel_loop3A_132] in [0] : vector<16xi32>, vector<16xi32> -> vector<16xi32>
      %parallel_loop3A_134 = arith.cmpf oge, %parallel_loop3A_105, %parallel_loop3A_128 : vector<16xf32>
      %parallel_loop3A_135 = arith.select %parallel_loop3A_134, %parallel_loop3A_105, %parallel_loop3A_128 : vector<16xi1>, vector<16xf32>
      %parallel_loop3A_136 = arith.select %parallel_loop3A_134, %parallel_loop3A_106, %parallel_loop3A_133 : vector<16xi1>, vector<16xi32>
      %parallel_loop3A_137 = arith.constant dense<true> : vector<16xi1>
      %parallel_loop3A_138, %parallel_loop3A_139, %parallel_loop3A_140 = tpu.sort %parallel_loop3A_135, %parallel_loop3A_136 masked %parallel_loop3A_137 {descending = true} : (vector<16xf32>, vector<16xi32>, vector<16xi1>) -> (vector<16xi1>, vector<16xf32>, vector<16xi32>)
      %parallel_loop3A_141 = vector.broadcast %parallel_loop3A_45 : i32 to vector<16xi32>
      %parallel_loop3A_142 = arith.addi %parallel_loop3A_141, %parallel_loop3A_140 : vector<16xi32>
      %parallel_loop3A_143 = tpu.vector_load_idx %arg7[%parallel_loop3A_142] : memref<16384xf32, #tpu.memory_space<vmem>>[vector<16xi32>], vector<16xf32>,
      %parallel_loop3A_144 = arith.constant -3.400000e+38 : f32
      %parallel_loop3A_145 = vector.broadcast %parallel_loop3A_144 : f32 to vector<16xf32>
      %parallel_loop3A_146 = arith.select %lt3A_16, %parallel_loop3A_143, %parallel_loop3A_145 : vector<16xi1>, vector<16xf32>
      %parallel_loop3A_147 = arith.constant true
      %parallel_loop3A_148 = vector.broadcast %parallel_loop3A_147 : i1 to vector<16xi1>
      %parallel_loop3A_149 = tpu.scan <max>, %parallel_loop3A_146 masked %parallel_loop3A_148 : vector<16xf32>, vector<16xi1> -> vector<16xf32>
      %parallel_loop3A_150 = vector.extract %parallel_loop3A_149[15] : f32 from vector<16xf32>
      %parallel_loop3A_151 = vector.broadcast %parallel_loop3A_150 : f32 to vector<16xf32>
      %parallel_loop3A_152 = arith.subf %parallel_loop3A_143, %parallel_loop3A_151 : vector<16xf32>
      %parallel_loop3A_153 = math.exp %parallel_loop3A_152 : vector<16xf32>
      %parallel_loop3A_154 = arith.constant 0.000000e+00 : f32
      %parallel_loop3A_155 = vector.broadcast %parallel_loop3A_154 : f32 to vector<16xf32>
      %parallel_loop3A_156 = arith.select %lt3A_16, %parallel_loop3A_153, %parallel_loop3A_155 : vector<16xi1>, vector<16xf32>
      %parallel_loop3A_157 = arith.constant true
      %parallel_loop3A_158 = vector.broadcast %parallel_loop3A_157 : i1 to vector<16xi1>
      %parallel_loop3A_159 = tpu.scan <sum>, %parallel_loop3A_156 masked %parallel_loop3A_158 : vector<16xf32>, vector<16xi1> -> vector<16xf32>
      %parallel_loop3A_160 = vector.extract %parallel_loop3A_159[15] : f32 from vector<16xf32>
      %parallel_loop3A_161 = vector.broadcast %parallel_loop3A_160 : f32 to vector<16xf32>
      %parallel_loop3A_162 = arith.divf %parallel_loop3A_156, %parallel_loop3A_161 : vector<16xf32>
      %parallel_loop3A_163 = arith.constant 8 : i32
      %parallel_loop3A_164 = arith.muli %parallel_loop3A_43, %parallel_loop3A_163 : i32
      %parallel_loop3A_165 = arith.index_cast %parallel_loop3A_164 : i32 to index
      %parallel_loop3A_166 = tpu.vector_load %arg8[%parallel_loop3A_165] masked %lt3A_16 {strides = array<i32>} : memref<2056xi32, #tpu.memory_space<vmem>>, vector<16xi32>, vector<16xi1>
      tpu.vector_store %arg8[%parallel_loop3A_165], %parallel_loop3A_140 masked %lt3A_16 {strides = array<i32>} : memref<2056xi32, #tpu.memory_space<vmem>>, vector<16xi32>, vector<16xi1>
      %parallel_loop3A_167 = arith.constant 8 : i32
      %parallel_loop3A_168 = arith.muli %parallel_loop3A_43, %parallel_loop3A_167 : i32
      %parallel_loop3A_169 = arith.index_cast %parallel_loop3A_168 : i32 to index
      %parallel_loop3A_170 = tpu.vector_load %arg9[%parallel_loop3A_169] masked %lt3A_16 {strides = array<i32>} : memref<2056xf32, #tpu.memory_space<vmem>>, vector<16xf32>, vector<16xi1>
      tpu.vector_store %arg9[%parallel_loop3A_169], %parallel_loop3A_162 masked %lt3A_16 {strides = array<i32>} : memref<2056xf32, #tpu.memory_space<vmem>>, vector<16xf32>, vector<16xi1>
    } {sc.loop_unroll_factor = 4 : i64, sc.parallel_access}
    %dma_start3A_19 = arith.constant 0 : i32
    %dma_start3A_20 = tpu.memref_slice %arg8[%dma_start3A_19] : memref<2056xi32, #tpu.memory_space<vmem>> -> memref<2048xi32, #tpu.memory_space<vmem>>
    %dma_start3A_21 = tpu.memref_slice %arg4[%mul3A_8] : memref<65536xi32, #tpu.memory_space<hbm>> -> memref<2048xi32, #tpu.memory_space<hbm>>
    %dma_start3A_22 = tpu.memref_slice %arg4[%mul3A_8] : memref<65536xi32, #tpu.memory_space<hbm>> -> memref<2048xi32, #tpu.memory_space<hbm>>
    %dma_start3A_23 = arith.constant 0 : i32
    %dma_start3A_24 = tpu.memref_slice %arg8[%dma_start3A_23] : memref<2056xi32, #tpu.memory_space<vmem>> -> memref<2048xi32, #tpu.memory_space<vmem>>
    tpu.enqueue_dma source(%dma_start3A_24 : memref<2048xi32, #tpu.memory_space<vmem>>) target(%dma_start3A_22 : memref<2048xi32, #tpu.memory_space<hbm>>) target_semaphore(%arg10 : memref<!tpu.dma_semaphore, #tpu.memory_space<semaphore_mem>>)
    %dma_wait3A_25 = arith.constant 0 : i32
    %dma_wait3A_26 = tpu.memref_slice %arg8[%dma_wait3A_25] : memref<2056xi32, #tpu.memory_space<vmem>> -> memref<2048xi32, #tpu.memory_space<vmem>>
    %dma_wait3A_27 = tpu.memref_slice %arg4[%mul3A_8] : memref<65536xi32, #tpu.memory_space<hbm>> -> memref<2048xi32, #tpu.memory_space<hbm>>
    %dma_wait3A_28 = tpu.memref_slice %arg4[%mul3A_8] : memref<65536xi32, #tpu.memory_space<hbm>> -> memref<2048xi32, #tpu.memory_space<hbm>>
    %dma_wait3A_29 = arith.constant 0 : i32
    %dma_wait3A_30 = tpu.memref_slice %arg8[%dma_wait3A_29] : memref<2056xi32, #tpu.memory_space<vmem>> -> memref<2048xi32, #tpu.memory_space<vmem>>
    tpu.wait_dma2 semaphore(%arg10 : memref<!tpu.dma_semaphore, #tpu.memory_space<semaphore_mem>>) src(%dma_wait3A_30 : memref<2048xi32, #tpu.memory_space<vmem>>) dst(%dma_wait3A_28 : memref<2048xi32, #tpu.memory_space<hbm>>)
    %dma_start3A_31 = arith.constant 0 : i32
    %dma_start3A_32 = tpu.memref_slice %arg9[%dma_start3A_31] : memref<2056xf32, #tpu.memory_space<vmem>> -> memref<2048xf32, #tpu.memory_space<vmem>>
    %dma_start3A_33 = tpu.memref_slice %arg5[%mul3A_8] : memref<65536xf32, #tpu.memory_space<hbm>> -> memref<2048xf32, #tpu.memory_space<hbm>>
    %dma_start3A_34 = tpu.memref_slice %arg5[%mul3A_8] : memref<65536xf32, #tpu.memory_space<hbm>> -> memref<2048xf32, #tpu.memory_space<hbm>>
    %dma_start3A_35 = arith.constant 0 : i32
    %dma_start3A_36 = tpu.memref_slice %arg9[%dma_start3A_35] : memref<2056xf32, #tpu.memory_space<vmem>> -> memref<2048xf32, #tpu.memory_space<vmem>>
    tpu.enqueue_dma source(%dma_start3A_36 : memref<2048xf32, #tpu.memory_space<vmem>>) target(%dma_start3A_34 : memref<2048xf32, #tpu.memory_space<hbm>>) target_semaphore(%arg10 : memref<!tpu.dma_semaphore, #tpu.memory_space<semaphore_mem>>)
    %dma_wait3A_37 = arith.constant 0 : i32
    %dma_wait3A_38 = tpu.memref_slice %arg9[%dma_wait3A_37] : memref<2056xf32, #tpu.memory_space<vmem>> -> memref<2048xf32, #tpu.memory_space<vmem>>
    %dma_wait3A_39 = tpu.memref_slice %arg5[%mul3A_8] : memref<65536xf32, #tpu.memory_space<hbm>> -> memref<2048xf32, #tpu.memory_space<hbm>>
    %dma_wait3A_40 = tpu.memref_slice %arg5[%mul3A_8] : memref<65536xf32, #tpu.memory_space<hbm>> -> memref<2048xf32, #tpu.memory_space<hbm>>
    %dma_wait3A_41 = arith.constant 0 : i32
    %dma_wait3A_42 = tpu.memref_slice %arg9[%dma_wait3A_41] : memref<2056xf32, #tpu.memory_space<vmem>> -> memref<2048xf32, #tpu.memory_space<vmem>>
    tpu.wait_dma2 semaphore(%arg10 : memref<!tpu.dma_semaphore, #tpu.memory_space<semaphore_mem>>) src(%dma_wait3A_42 : memref<2048xf32, #tpu.memory_space<vmem>>) dst(%dma_wait3A_40 : memref<2048xf32, #tpu.memory_space<hbm>>)
    return
  }
}

module attributes {stable_mosaic.version = 14 : i64} {
  func.func @_dense_body(%arg0: i32, %arg1: memref<1024x2048xf32, #tpu.memory_space<vmem>>, %arg2: memref<2048x32xf32, #tpu.memory_space<vmem>>, %arg3: memref<16x64xf32, #tpu.memory_space<vmem>>, %arg4: memref<1024x64xf32, #tpu.memory_space<vmem>>, %arg5: memref<1024x64xf32, #tpu.memory_space<vmem>>) attributes {dimension_semantics = [#tpu.dimension_semantics<arbitrary>], iteration_bounds = array<i64: 8>, scalar_prefetch = 0 : i64, scratch_operands = 0 : i64, tpu.core_type = #tpu.core_type<tc>, window_params = [{transform_indices = @transform_0, window_bounds = array<i64: 1024, 2048>}, {pipeline_mode = #tpu.pipeline_mode<synchronous>, transform_indices = @transform_1, window_bounds = array<i64: 2048, 32>}, {pipeline_mode = #tpu.pipeline_mode<synchronous>, transform_indices = @transform_2, window_bounds = array<i64: 16, 64>}, {transform_indices = @transform_3, window_bounds = array<i64: 1024, 64>}, {transform_indices = @transform_4, window_bounds = array<i64: 1024, 64>}]} {
    %get3A = arith.constant 0 : index
    %get3A_0 = arith.constant 0 : index
    %get3A_1 = vector.load %arg1[%get3A, %get3A_0] : memref<1024x2048xf32, #tpu.memory_space<vmem>>, vector<1024x2048xf32>
    %convert_element_type3A = arith.truncf %get3A_1 : vector<1024x2048xf32> to vector<1024x2048xbf16>
    %get3A_2 = arith.constant 0 : index
    %get3A_3 = arith.constant 0 : index
    %get3A_4 = vector.load %arg2[%get3A_2, %get3A_3] : memref<2048x32xf32, #tpu.memory_space<vmem>>, vector<2048x32xf32>
    %convert_element_type3A_5 = arith.truncf %get3A_4 : vector<2048x32xf32> to vector<2048x32xbf16>
    %dot_general3A = arith.constant dense<0.000000e+00> : vector<1024x32xf32>
    %dot_general3A_6 = tpu.matmul %convert_element_type3A, %convert_element_type3A_5, %dot_general3A {dimension_numbers = #tpu.dot_dimension_numbers<[1], [0], [0], [1], [0, 0, 1, 1], [], []>, transpose_lhs_hint = false} : vector<1024x2048xbf16>, vector<2048x32xbf16>, vector<1024x32xf32> -> vector<1024x32xf32>
    %slice3A = vector.extract_strided_slice %dot_general3A_6 {offsets = [0, 0], sizes = [1024, 8], strides = [1, 1]} : vector<1024x32xf32> to vector<1024x8xf32>
    %slice3A_7 = vector.extract_strided_slice %dot_general3A_6 {offsets = [0, 8], sizes = [1024, 8], strides = [1, 1]} : vector<1024x32xf32> to vector<1024x8xf32>
    %slice3A_8 = vector.extract_strided_slice %dot_general3A_6 {offsets = [0, 16], sizes = [1024, 16], strides = [1, 1]} : vector<1024x32xf32> to vector<1024x16xf32>
    %iota3A = tpu.iota {dimensions = array<i32: 1>} : vector<8x64xi32>
    %iota3A_9 = tpu.iota {dimensions = array<i32: 0>} : vector<8x64xi32>
    %jit3A = arith.constant 8 : i32
    %div3A = vector.broadcast %jit3A : i32 to vector<8x64xi32>
    %div3A_10 = arith.divsi %iota3A, %div3A : vector<8x64xi32>
    %sign3A = arith.constant 0 : i32
    %sign3A_11 = vector.broadcast %sign3A : i32 to vector<8x64xi32>
    %sign3A_12 = arith.cmpi sgt, %iota3A, %sign3A_11 : vector<8x64xi32>
    %sign3A_13 = arith.extui %sign3A_12 : vector<8x64xi1> to vector<8x64xi32>
    %sign3A_14 = arith.constant 0 : i32
    %sign3A_15 = vector.broadcast %sign3A_14 : i32 to vector<8x64xi32>
    %sign3A_16 = arith.cmpi slt, %iota3A, %sign3A_15 : vector<8x64xi32>
    %sign3A_17 = arith.extui %sign3A_16 : vector<8x64xi1> to vector<8x64xi32>
    %sign3A_18 = arith.subi %sign3A_13, %sign3A_17 : vector<8x64xi32>
    %sign3A_19 = arith.constant 0 : i32
    %sign3A_20 = arith.cmpi sgt, %jit3A, %sign3A_19 : i32
    %sign3A_21 = arith.extui %sign3A_20 : i1 to i32
    %sign3A_22 = arith.constant 0 : i32
    %sign3A_23 = arith.cmpi slt, %jit3A, %sign3A_22 : i32
    %sign3A_24 = arith.extui %sign3A_23 : i1 to i32
    %sign3A_25 = arith.subi %sign3A_21, %sign3A_24 : i32
    %ne3A = vector.broadcast %sign3A_25 : i32 to vector<8x64xi32>
    %ne3A_26 = arith.cmpi ne, %sign3A_18, %ne3A : vector<8x64xi32>
    %rem3A = vector.broadcast %jit3A : i32 to vector<8x64xi32>
    %rem3A_27 = arith.remsi %iota3A, %rem3A : vector<8x64xi32>
    %ne3A_28 = arith.constant 0 : i32
    %ne3A_29 = vector.broadcast %ne3A_28 : i32 to vector<8x64xi32>
    %ne3A_30 = arith.cmpi ne, %rem3A_27, %ne3A_29 : vector<8x64xi32>
    %and3A = arith.andi %ne3A_26, %ne3A_30 : vector<8x64xi1>
    %sub3A = arith.constant 1 : i32
    %sub3A_31 = vector.broadcast %sub3A : i32 to vector<8x64xi32>
    %sub3A_32 = arith.subi %div3A_10, %sub3A_31 : vector<8x64xi32>
    %select_n3A = arith.select %and3A, %sub3A_32, %div3A_10 : vector<8x64xi1>, vector<8x64xi32>
    %eq3A = arith.cmpi eq, %select_n3A, %iota3A_9 : vector<8x64xi32>
    %convert_element_type3A_33 = arith.extui %eq3A : vector<8x64xi1> to vector<8x64xi32>
    %convert_element_type3A_34 = arith.sitofp %convert_element_type3A_33 : vector<8x64xi32> to vector<8x64xf32>
    %jit3A_35 = arith.constant 8 : i32
    %eq3A_36 = arith.constant 0 : i32
    %eq3A_37 = arith.cmpi eq, %jit3A_35, %eq3A_36 : i32
    %jit3A_38 = arith.constant 1 : i32
    %select_n3A_39 = arith.select %eq3A_37, %jit3A_38, %jit3A_35 : i32
    %rem3A_40 = vector.broadcast %select_n3A_39 : i32 to vector<8x64xi32>
    %rem3A_41 = arith.remsi %iota3A, %rem3A_40 : vector<8x64xi32>
    %ne3A_42 = arith.constant 0 : i32
    %ne3A_43 = vector.broadcast %ne3A_42 : i32 to vector<8x64xi32>
    %ne3A_44 = arith.cmpi ne, %rem3A_41, %ne3A_43 : vector<8x64xi32>
    %lt3A = arith.constant 0 : i32
    %lt3A_45 = vector.broadcast %lt3A : i32 to vector<8x64xi32>
    %lt3A_46 = arith.cmpi slt, %rem3A_41, %lt3A_45 : vector<8x64xi32>
    %lt3A_47 = arith.constant 0 : i32
    %lt3A_48 = arith.cmpi slt, %select_n3A_39, %lt3A_47 : i32
    %ne3A_49 = vector.broadcast %lt3A_48 : i1 to vector<8x64xi1>
    %ne3A_50 = vector.broadcast %ne3A_49 : vector<8x64xi1> to vector<8x64xi1>
    %ne3A_51 = arith.xori %lt3A_46, %ne3A_50 : vector<8x64xi1>
    %and3A_52 = arith.andi %ne3A_51, %ne3A_44 : vector<8x64xi1>
    %add3A = vector.broadcast %select_n3A_39 : i32 to vector<8x64xi32>
    %add3A_53 = arith.addi %rem3A_41, %add3A : vector<8x64xi32>
    %select_n3A_54 = arith.select %and3A_52, %add3A_53, %rem3A_41 : vector<8x64xi1>, vector<8x64xi32>
    %eq3A_55 = arith.cmpi eq, %select_n3A_54, %iota3A_9 : vector<8x64xi32>
    %convert_element_type3A_56 = arith.extui %eq3A_55 : vector<8x64xi1> to vector<8x64xi32>
    %convert_element_type3A_57 = arith.sitofp %convert_element_type3A_56 : vector<8x64xi32> to vector<8x64xf32>
    %dot_general3A_58 = arith.constant dense<0.000000e+00> : vector<1024x64xf32>
    %dot_general3A_59 = tpu.matmul %slice3A, %convert_element_type3A_34, %dot_general3A_58 {dimension_numbers = #tpu.dot_dimension_numbers<[1], [0], [0], [1], [0, 0, 1, 1], [], []>, precision = #tpu.contract_precision<fp32>, transpose_lhs_hint = false} : vector<1024x8xf32>, vector<8x64xf32>, vector<1024x64xf32> -> vector<1024x64xf32>
    %dot_general3A_60 = arith.constant dense<0.000000e+00> : vector<1024x64xf32>
    %dot_general3A_61 = tpu.matmul %slice3A_7, %convert_element_type3A_57, %dot_general3A_60 {dimension_numbers = #tpu.dot_dimension_numbers<[1], [0], [0], [1], [0, 0, 1, 1], [], []>, precision = #tpu.contract_precision<fp32>, transpose_lhs_hint = false} : vector<1024x8xf32>, vector<8x64xf32>, vector<1024x64xf32> -> vector<1024x64xf32>
    %add3A_62 = arith.addf %dot_general3A_59, %dot_general3A_61 : vector<1024x64xf32>
    %convert_element_type3A_63 = arith.truncf %slice3A_8 : vector<1024x16xf32> to vector<1024x16xbf16>
    %get3A_64 = arith.constant 0 : index
    %get3A_65 = arith.constant 0 : index
    %get3A_66 = vector.load %arg3[%get3A_64, %get3A_65] : memref<16x64xf32, #tpu.memory_space<vmem>>, vector<16x64xf32>
    %convert_element_type3A_67 = arith.truncf %get3A_66 : vector<16x64xf32> to vector<16x64xbf16>
    %dot_general3A_68 = arith.constant dense<0.000000e+00> : vector<1024x64xf32>
    %dot_general3A_69 = tpu.matmul %convert_element_type3A_63, %convert_element_type3A_67, %dot_general3A_68 {dimension_numbers = #tpu.dot_dimension_numbers<[1], [0], [0], [1], [0, 0, 1, 1], [], []>, transpose_lhs_hint = false} : vector<1024x16xbf16>, vector<16x64xbf16>, vector<1024x64xf32> -> vector<1024x64xf32>
    %swap3A = arith.constant 0 : index
    %swap3A_70 = arith.constant 0 : index
    %swap3A_71 = vector.load %arg4[%swap3A, %swap3A_70] : memref<1024x64xf32, #tpu.memory_space<vmem>>, vector<1024x64xf32>
    tpu.vector_store %arg4[%swap3A, %swap3A_70], %add3A_62 {strides = array<i32>} : memref<1024x64xf32, #tpu.memory_space<vmem>>, vector<1024x64xf32>,
    %add3A_72 = arith.addf %add3A_62, %dot_general3A_69 : vector<1024x64xf32>
    %swap3A_73 = arith.constant 0 : index
    %swap3A_74 = arith.constant 0 : index
    %swap3A_75 = vector.load %arg5[%swap3A_73, %swap3A_74] : memref<1024x64xf32, #tpu.memory_space<vmem>>, vector<1024x64xf32>
    tpu.vector_store %arg5[%swap3A_73, %swap3A_74], %add3A_72 {strides = array<i32>} : memref<1024x64xf32, #tpu.memory_space<vmem>>, vector<1024x64xf32>,
    return
  }
  func.func @transform_0(%arg0: i32) -> (i32, i32) {
    %c0_i32 = arith.constant 0 : i32
    %c0_i32_0 = arith.constant 0 : i32
    return %arg0, %c0_i32 : i32, i32
  }
  func.func @transform_1(%arg0: i32) -> (i32, i32) {
    %c0_i32 = arith.constant 0 : i32
    %c0_i32_0 = arith.constant 0 : i32
    %c0_i32_1 = arith.constant 0 : i32
    return %c0_i32, %c0_i32_0 : i32, i32
  }
  func.func @transform_2(%arg0: i32) -> (i32, i32) {
    %c0_i32 = arith.constant 0 : i32
    %c0_i32_0 = arith.constant 0 : i32
    %c0_i32_1 = arith.constant 0 : i32
    return %c0_i32, %c0_i32_0 : i32, i32
  }
  func.func @transform_3(%arg0: i32) -> (i32, i32) {
    %c0_i32 = arith.constant 0 : i32
    %c0_i32_0 = arith.constant 0 : i32
    return %arg0, %c0_i32 : i32, i32
  }
  func.func @transform_4(%arg0: i32) -> (i32, i32) {
    %c0_i32 = arith.constant 0 : i32
    %c0_i32_0 = arith.constant 0 : i32
    return %arg0, %c0_i32 : i32, i32
  }
}

</mosaic_0001>

<sc_bundles>
// kernel: kernel.4.cloned.1.call-start
scs
__scs_entry_jumppad:
0x0: {  	(pc) =	sbr.rel $0x88, $3  }
0x1: {  	(tag) =	ssettag $0x0;
	lr =	simm.s32 $0x1  }
0x2: {  	[smem:$0x3F9C] =	sst lr;
	_ =	strace $0xD0000000  }
0x3: {  	_ = 	snop  }
0x4: {  	_ = 	snop  }
0x5: {  	_ = 	snop  }
0x6: {  	_ = 	snop  }
0x7: {  	_ = 	snop  }
__scs_overlays_trampoline_lowered:
0x8: {  	[smem:$0x3FAB] =	sst s0  }
0x9: {  	[smem:$0x3FAC] =	sst s1  }
0xa: {  	[smem:$0x3FAD] =	sst s2  }
0xb: {  	[smem:$0x3FAE] =	sst s3  }
0xc: {  	[smem:$0x3FAF] =	sst s4  }
0xd: {  	[smem:$0x3FB0] =	sst s5  }
0xe: {  	[smem:$0x3FB1] =	sst s6  }
0xf: {  	[smem:$0x3FB2] =	sst s7  }
0x10: {  	[smem:$0x3FB3] =	sst s8  }
0x11: {  	[smem:$0x3FB4] =	sst s9;
	s0 =	simm.s32 @!p0 $0x0  }
0x12: {  	s1 =	sld [smem:$0x3F9A];
	s0 =	simm.s32 @p0 $0x1  }
0x13: {  	[smem:$0x3FB5] =	sst s0;
	s0 =	simm.s32 @!p1 $0x0  }
0x14: {  	s2 =	sld [smem:$0x3F99];
	s0 =	simm.s32 @p1 $0x1  }
0x15: {  	[smem:$0x3FB6] =	sst s0;
	s0 =	simm.s32 @!p2 $0x0  }
0x16: {  	s3 =	sld [smem:$0x3FDB];
	s0 =	simm.s32 @p2 $0x1  }
0x17: {  	s4 =	simm.s32 $0x1BF5;
	[smem:$0x3FB8] =	sst s0  }
0x18: {  	s0 =	sld [smem:$0x3F9B];
	_ =	swait.ge [sflag:s4], $0x0  }
0x19: {  	s7 =	sld [smem:$0x3F9C]  }
0x1a: {  	s8 =	sadd.s32 $0xFFFFE003, lr  }
0x1b: {  	s9 =	sadd.s32 $0xFFFFFEF7, lr;
	s5 =	simm.s32 $0xFFFFFFFF;
	p2 =	slt.u32 s8, $0xFFFFF086  }
0x1c: {  	p1 =	slt.u32 s9, $0xF7A;
	s5 =	simm.s32 @!p2 $0x0  }
0x1d: {  	s5 =	simm.s32 @p1 $0x1;
	p0 =	seq.s32 s7, s2  }
0x1e: {  	s7 =	smul.u32 @!p0 $0xF7A, s2;
	p2 =	seq.s32 @!p0 s5, $0x0  }
0x1f: {  	s9 =	smul.u32 $0xF7A, s1;
	s8 =	simm.s32 @!p0 $0x1BF5;
	p2 =	por !p2, p0  }
0x20: {  	[sflag:s8] =	ssyncset.s32 @!p0 $0xFFFFF086;
	s6 =	sadd.s32 @!p0 s3, s7;
	s7 =	simm.s32 @!p0 $0x108  }
0x21: {  	s3 =	sadd.s32 s3, s9;
	s6 =	sadd.s32 @!p0 $0x88, s6;
	s7 =	simm.s32 @p2 $0x1082  }
0x22: {  	[simem:s7], [sflag:s8] =	dma.local @!p0 [hbm:s6], $0xF7A  }
0x23: {  	s9 =	sor.u32 $0xD0000000, s2;
	s6 =	simm.s32 $0x108;
	_ =	swait.ge @!p0 [sflag:s8], $0x0  }
0x24: {  	s3 =	sadd.s32 $0x88, s3;
	s6 =	simm.s32 @!p1 $0x1082;
	[sflag:s4] =	ssyncset.s32 $0xFFFFF086  }
0x25: {  	[simem:s6], [sflag:s4] =	dma.local [hbm:s3], $0xF7A  }
0x26: {  	[smem:$0x3F9C] =	sst s1;
	(tag) =	ssettag s2;
	_ =	strace s9  }
0x27: {  	s1 =	sld [smem:$0x3FAC]  }
0x28: {  	s2 =	sld [smem:$0x3FAD]  }
0x29: {  	s4 =	sld [smem:$0x3FAF]  }
0x2a: {  	p0 =	seq.s32 s5, $0x0;
	s5 =	sld [smem:$0x3FB0]  }
0x2b: {  	s6 =	sld [smem:$0x3FB1]  }
0x2c: {  	s7 =	sld [smem:$0x3FB2]  }
0x2d: {  	s3 =	simm.s32 $0x108;
	s8 =	sld [smem:$0x3FB3]  }
0x2e: {  	s3 =	simm.s32 @!p0 $0x1082;
	s9 =	sld [smem:$0x3FB4]  }
0x2f: {  	lr =	sadd.s32 s0, s3;
	s0 =	sld [smem:$0x3FAB]  }
0x30: {  	s3 =	sld [smem:$0x3FAE]  }
0x31: {  	[smem:$0x3FB7] =	sst s10  }
0x32: {  	s10 =	sld [smem:$0x3FB5];
	_ =	sdelay $0x3  }
0x33: {  	p0 =	seq.s32 s10, $0x1;
	s10 =	sld [smem:$0x3FB7];
	_ =	sdelay $0x3  }
0x34: {  	[smem:$0x3FB7] =	sst s10  }
0x35: {  	s10 =	sld [smem:$0x3FB6];
	_ =	sdelay $0x3  }
0x36: {  	p1 =	seq.s32 s10, $0x1;
	s10 =	sld [smem:$0x3FB7];
	_ =	sdelay $0x3  }
0x37: {  	[smem:$0x3FB7] =	sst s10  }
0x38: {  	s10 =	sld [smem:$0x3FB8]  }
0x39: {  	_ = 	snop;
	(pc) =	sbr.ind lr, $3  }
0x3a: {  	_ = 	snop  }
0x3b: {  	_ = 	snop  }
0x3c: {  	p2 =	seq.s32 s10, $0x1;
	s10 =	sld [smem:$0x3FB7]  }
0x3d: {  	_ =	shalt  }
0x3e: {  	_ =	shalt  }
0x3f: {  	_ =	shalt  }
0x40: {  	_ =	shalt  }
0x41: {  	_ =	shalt  }
0x42: {  	_ =	shalt  }
0x43: {  	_ =	shalt  }
0x44: {  	_ =	shalt  }
0x45: {  	_ =	shalt  }
0x46: {  	_ =	shalt  }
0x47: {  	_ =	shalt  }
0x48: {  	_ =	shalt  }
0x49: {  	_ =	shalt  }
0x4a: {  	_ =	shalt  }
0x4b: {  	_ =	shalt  }
0x4c: {  	_ =	shalt  }
0x4d: {  	_ =	shalt  }
0x4e: {  	_ =	shalt  }
0x4f: {  	_ =	shalt  }
0x50: {  	_ =	shalt  }
0x51: {  	_ =	shalt  }
0x52: {  	_ =	shalt  }
0x53: {  	_ =	shalt  }
0x54: {  	_ =	shalt  }
0x55: {  	_ =	shalt  }
0x56: {  	_ =	shalt  }
0x57: {  	_ =	shalt  }
0x58: {  	_ =	shalt  }
0x59: {  	_ =	shalt  }
0x5a: {  	_ =	shalt  }
0x5b: {  	_ =	shalt  }
0x5c: {  	_ =	shalt  }
0x5d: {  	_ =	shalt  }
0x5e: {  	_ =	shalt  }
0x5f: {  	_ =	shalt  }
0x60: {  	_ =	shalt  }
0x61: {  	_ =	shalt  }
0x62: {  	_ =	shalt  }
0x63: {  	_ =	shalt  }
0x64: {  	_ =	shalt  }
0x65: {  	_ =	shalt  }
0x66: {  	_ =	shalt  }
0x67: {  	_ =	shalt  }
0x68: {  	_ =	shalt  }
0x69: {  	_ =	shalt  }
0x6a: {  	_ =	shalt  }
0x6b: {  	_ =	shalt  }
0x6c: {  	_ =	shalt  }
0x6d: {  	_ =	shalt  }
0x6e: {  	_ =	shalt  }
0x6f: {  	_ =	shalt  }
0x70: {  	_ =	shalt  }
0x71: {  	_ =	shalt  }
0x72: {  	_ =	shalt  }
0x73: {  	_ =	shalt  }
0x74: {  	_ =	shalt  }
0x75: {  	_ =	shalt  }
0x76: {  	_ =	shalt  }
0x77: {  	_ =	shalt  }
0x78: {  	_ =	shalt  }
0x79: {  	_ =	shalt  }
0x7a: {  	_ =	shalt  }
0x7b: {  	_ =	shalt  }
0x7c: {  	_ =	shalt  }
0x7d: {  	_ =	shalt  }
0x7e: {  	_ =	shalt  }
0x7f: {  	_ =	shalt  }
0x80: {  	_ =	shalt  }
0x81: {  	_ =	shalt  }
0x82: {  	_ =	shalt  }
0x83: {  	_ =	shalt  }
0x84: {  	_ =	shalt  }
0x85: {  	_ =	shalt  }
0x86: {  	_ =	shalt  }
0x87: {  	_ =	shalt  }
.Lfunc_end0:
.L_simem_size_0:
called_computation_lowered:
.L_overlay_start_0:
0x88: {  	s2 =	sld [smem:$0x3FD9]  }
0x89: {  	s3 =	sld [smem:$0x3FFE];
	_ =	sdelay $0x1  }
0x8a: {  	s1 =	srdreg.scid  }
0x8b: {  	s0 =	sand.u32 $0x1, s1  }
0x8c: {  	s14 =	sshll.u32 s0, $0xA;
	s2 =	sadd.s32 s3, s2  }
0x8d: {  	s2 =	sadd.s32 s2, s14  }
0x8e: {  	[smem:$0x3FC3] =	sst s2  }
0x8f: {  	_ = 	snop  }
0x90: {  	s2 =	sld [smem:$0x3FD0];
	_ =	sdelay $0x2  }
0x91: {  	s15 =	simm.s32 $0xA;
	s4 =	simm.s32 $0x10  }
0x92: {  	[smem:s4], [sflag:s15] =	dma.local [hbm:s2], $0x1  }
0x93: {  	_ =	swait.eq [sflag:s15], $0x1  }
0x94: {  	[sflag:s15] =	ssyncset.done $0x0  }
0x95: {  	[sflag:s15] =	ssyncadd.s32 $0xFFFFFFFF  }
0x96: {  	s16 =	sld [smem:$0x11];
	(tm) =	ssettm $0x1  }
0x97: {  	s17 =	sld [smem:$0x3FFB];
	_ =	sdelay $0x3  }
0x98: {  	_ =	strace s17  }
0x99: {  	s3 =	sld [smem:$0x3FFC];
	_ =	sdelay $0x3  }
0x9a: {  	_ =	strace s3  }
0x9b: {  	s3 =	sld [smem:$0x3FFD];
	_ =	sdelay $0x3  }
0x9c: {  	_ =	strace s3  }
0x9d: {  	_ =	strace $0x8FFFFFFF  }
0x9e: {  	s18 =	sld [smem:$0x3FDB];
	_ =	sdelay $0x1  }
0x9f: {  	s19 =	simm.s32 $_scs_section_size  }
0xa0: {  	s5 =	simm.s32 $_size__tile_overlayer_lowered;
	s6 =	simm.s32 $_tile_overlayer_lowered  }
0xa1: {  	s22 =	simm.s32 $0x1BFF;
	s21 =	sshll.u32 s6, $0x1;
	s3 =	sadd.s32 s19, s18  }
0xa2: {  	s7 =	simm.s32 $0x0;
	s20 =	sshll.u32 s5, $0x1;
	s5 =	sadd.s32 s21, s3  }
0xa3: {  	[timem:s7], [sflag:s22] =	dma.local [hbm:s5], s20  }
0xa4: {  	_ =	swait.ge [sflag:s22], s20  }
0xa5: {  	s4 =	ssub.s32 $0x0, s20;
	[sflag:s22] =	ssyncset.done $0x0  }
0xa6: {  	[sflag:s22] =	ssyncadd.s32 s4;
	_ =	sdelay $0x1  }
0xa7: {  	s23 =	simm.s32 $0x1B8B  }
0xa8: {  	_ =	swait.ge [sflag:s23], $0x1  }
0xa9: {  	[sflag:s23] =	ssyncset.done $0x0  }
0xaa: {  	s25 =	simm.s32 $0x1B8E;
	s24 =	sld [smem:$0x3FFE];
	[sflag:s23] =	ssyncadd.s32 $0xFFFFFFFF  }
0xab: {  	s26 =	simm.s32 $execute0_lowered;
	[smem:$0x3FD2] =	sst s25  }
0xac: {  	s5 =	sshll.u32 s26, $0x1;
	_ =	strace $0x80000046;
	[dreg:$0x1] =	wrdreg $0xFFFFFFFF  }
0xad: {  	s28 =	simm.s32 $_size_execute0_lowered;
	s3 =	sadd.s32 s3, s5;
	[dreg:$0x0] =	wrdreg $0x0  }
0xae: {  	s5 =	sshll.u32 s28, $0x1;
	[dreg:$0x2] =	wrdreg s3  }
0xaf: {  	[dreg:$0x3] =	wrdreg s5  }
0xb0: {  	[dreg:$0x4] =	wrdreg $0xC0  }
0xb1: {  	_ =	task [dreg:s7], $0x5FFFF  }
0xb2: {  	[dreg:$0x1] =	wrdreg $0xFFFFFFFF  }
0xb3: {  	[dreg:$0x0] =	wrdreg $0x60  }
0xb4: {  	[dreg:$0x2] =	wrdreg s24  }
0xb5: {  	[dreg:$0x3] =	wrdreg s16  }
0xb6: {  	[dreg:$0x4] =	wrdreg $0x9  }
0xb7: {  	_ =	task.clear_ibuf [dreg:s7], $0x5FFFF;
	_ =	strace $0x90000046  }
0xb8: {  	s29 =	simm.s32 $0x9;
	_ =	strace $0x80000048  }
0xb9: {  	_ =	swait.ge [sflag:s29], $0x1  }
0xba: {  	[sflag:s29] =	ssyncadd.s32 $0xFFFFFFFF  }
0xbb: {  	_ =	strace $0x90000048  }
0xbc: {  	_ =	sfence  }
0xbd: {  	s30 =	sld [smem:$0x0];
	_ =	sdelay $0x2  }
0xbe: {  	s31 =	sshll.u32 s1, $0xD;
	s1 =	sshrl.u32 s1, $0x2  }
0xbf: {  	s3 =	sand.u32 $0x4000, s31;
	s1 =	sadd.s32 s1, s30  }
0xc0: {  	s0 =	sor.u32 s3, s0;
	s1 =	sshll.u32 s1, $0x11  }
0xc1: {  	s0 =	sor.u32 s1, s0  }
0xc2: {  	s0 =	sadd.s32 $0x8F2B, s0  }
0xc3: {  	[sflag:s0] =	ssyncadd.remote.s32 $0x1  }
0xc4: {  	_ =	sfence.sel $0xFFFF  }
0xc5: {  	[dreg:$0x0] =	wrdreg $0xFFFFFFFF;
	(pc) =	sbr.abs _section_cstart, $3  }
0xc6: {  	[dreg:$0x1] =	wrdreg $0xFFFFFFFF  }
0xc7: {  	_ =	task.clear_ibuf [dreg:s7], $0x2FFFF;
	_ =	strace $0x9FFFFFFF  }
0xc8: {  	(tm) =	ssettm $0x7FFFFFFF  }
0xc9: {  	_ =	shalt  }
tec
execute0_lowered:
.L_overlay_start_1:
0x0: {  	(tag) =	ssettag $0x1  }
0x1: {  	s0 =	rddreg [dreg:$0x0]  }
0x2: {  	s1 =	rddreg [dreg:$0x1]  }
0x3: {  	s2 =	srdreg.scid;
	s3 =	stileid.u32  }
0x4: {  	s6 =	simm.s32 $0x0;
	s2 =	sand.u32 $0x1, s2;
	s3 =	sshll.u32 s3, $0x1  }
0x5: {  	[smem:$0x7FF] =	sst s6;
	s3 =	sor.u32 s2, s3  }
0x6: {  	_ =	strace $0x80000047;
	s4 =	sshll.u32 s3, $0xB;
	s3 =	sshll.u32 s3, $0x8  }
0x7: {  	s2 =	ssub.s32 $0x2, s2;
	s4 =	sadd.s32 s4, s0;
	s1 =	sadd.s32 s1, s3  }
0x8: {  	s5 =	sshrl.u32 s2, $0x1;
	s30 =	sadd.s32 $0x10E00, s4;
	[dreg:$0x8] =	wrdreg s1  }
0x9: {  	v0 =	vlaneseq.u32;
	s0 =	sadd.s32 s3, s0;
	s4 =	sadd.s32 $0xE00, s4;
	[dreg:$0x6] =	wrdreg s30  }
0xa: {  	v4 =	vmul.u32 $0xFFFFFFFF, v0;
	s2 =	ssub.s32 s2, s5;
	s0 =	sadd.s32 $0x20E00, s0;
	[dreg:$0x7] =	wrdreg s4  }
0xb: {  	vm0 =	vmmov $0xff;
	v1 =	vor.u32 $0x10, v0;
	s31 =	smax.u32 s2, $0x1;
	[dreg:$0x9] =	wrdreg s0  }
0xc: {  	v2 =	vor.u32 $0x20, v0;
	v3 =	vor.u32 $0x30, v0;
	v4 =	vadd.s32 $0xF, v4;
	s1 =	simm.s32 $0x1;
	s2 =	simm.s32 $0x0;
	[dreg:$0xa] =	wrdreg s31  }
.LBB2_1:
0xd: {  	[dreg:$0xb] =	wrdreg s2  }
0xe: {  	s0 =	rddreg [dreg:$0x6]  }
0xf: {  	[tilespmem:s6], [sflag:$0x1] =	stream.linear.gather [hbm4b:s0+s6], $0x4000, $0x38;
	[tilespmem:$0x9100] =	vst v63  }
0x10: {  	s17 =	rddreg [dreg:$0x7];
	s9 =	simm.s32 $0x4000  }
0x11: {  	[tilespmem:s9], [sflag:$0x1] =	stream.linear.gather [hbm4b:s17+s6], $0x4000, $0x38;
	[tilespmem:$0x9100] =	vst v63  }
0x12: {  	_ =	swait.ge [sflag:s1], $0x4000  }
0x13: {  	[sflag:s1] =	ssyncset.done $0x0  }
0x14: {  	[sflag:s1] =	ssyncadd.s32 $0xFFFFC000  }
0x15: {  	_ =	swait.ge [sflag:s1], $0x4000  }
0x16: {  	[sflag:s1] =	ssyncset.done $0x0  }
0x17: {  	s2 =	simm.s32 $0x80;
	[sflag:s1] =	ssyncadd.s32 $0xFFFFC000  }
0x18: {  	v5 =	vld [tilespmem:s2+$0xFFFFFF80]  }
0x19: {  	v6 =	vld [tilespmem:s2+$0xFFFFFF90]  }
0x1a: {  	v7 =	vld [tilespmem:s2+$0xFFFFFFA0]  }
0x1b: {  	v8 =	vld [tilespmem:s2+$0xFFFFFFB0];
	_ =	sdelay $0x1  }
0x1c: {  	(xrf1) =	vsort.dscd.msk.f32 $0xffff, v5, v0  }
0x1d: {  	(xrf1) =	vsort.dscd.msk.f32 $0xffff, v6, v1  }
0x1e: {  	(xrf1) =	vsort.dscd.msk.f32 $0xffff, v7, v2  }
0x1f: {  	(xrf1) =	vsort.dscd.msk.f32 $0xffff, v8, v3;
	_ =	sdelay $0xa  }
0x20: {  	v5, v6, _ =	vpop (xrf1)  }
0x21: {  	v7, v8, _ =	vpop (xrf1)  }
0x22: {  	v9, v10, _ =	vpop (xrf1)  }
0x23: {  	v11, v12, _ =	vpop (xrf1)  }
0x24: {  	v11 =	vperm.xlane v11, v4  }
0x25: {  	v12 =	vperm.xlane v12, v4  }
0x26: {  	v7 =	vperm.xlane v7, v4;
	vm1 =	vge.f32 v9, v11  }
0x27: {  	v8 =	vperm.xlane v8, v4;
	v9 =	vsel vm1, v9, v11;
	v10 =	vsel vm1, v10, v12  }
0x28: {  	vm1 =	vge.f32 v5, v7;
	(xrf1) =	vsort.dscd.msk.f32 $0xffff, v9, v10  }
0x29: {  	v5 =	vsel vm1, v5, v7;
	v6 =	vsel vm1, v6, v8  }
0x2a: {  	(xrf1) =	vsort.dscd.msk.f32 $0xffff, v5, v6;
	_ =	sdelay $0x9  }
0x2b: {  	s3 =	simm.s32 $0x180  }
0x2c: {  	v5 =	vld [tilespmem:s3+$0xFFFFFF80]  }
0x2d: {  	v6, v7, _ =	vpop (xrf1)  }
0x2e: {  	v6 =	vperm.xlane v6, v4  }
0x2f: {  	v8, v9, _ =	vpop (xrf1);
	v7 =	vperm.xlane v7, v4  }
0x30: {  	vm1 =	vge.f32 v8, v6  }
0x31: {  	(xrf1) =	vsort.dscd.msk.f32 $0xffff, v5, v0;
	v5 =	vsel vm1, v8, v6;
	v6 =	vsel vm1, v9, v7  }
0x32: {  	(xrf1) =	vsort.dscd.msk.f32 $0xffff, v5, v6  }
0x33: {  	v5 =	vld [tilespmem:s3+$0xFFFFFF90]  }
0x34: {  	v6 =	vld [tilespmem:s3+$0xFFFFFFA0]  }
0x35: {  	v7 =	vld [tilespmem:s3+$0xFFFFFFB0];
	_ =	sdelay $0x2  }
0x36: {  	(xrf1) =	vsort.dscd.msk.f32 $0xffff, v5, v1  }
0x37: {  	(xrf1) =	vsort.dscd.msk.f32 $0xffff, v6, v2  }
0x38: {  	(xrf1) =	vsort.dscd.msk.f32 $0xffff, v7, v3;
	_ =	sdelay $0x4  }
0x39: {  	v5, v6, _ =	vpop (xrf1)  }
0x3a: {  	_, v7, _ =	vpop (xrf1)  }
0x3b: {  	v8 =	vadd.s32 s6, v7;
	_ =	sdelay $0x4  }
0x3c: {  	v9, v10, _ =	vpop (xrf1);
	v8 =	vld.idx.msk [tilespmem:v8+s9+$0x0], $0xffff  }
0x3d: {  	v11, v12, _ =	vpop (xrf1)  }
0x3e: {  	v13, v14, _ =	vpop (xrf1)  }
0x3f: {  	v13 =	vperm.xlane v13, v4  }
0x40: {  	v14 =	vperm.xlane v14, v4  }
0x41: {  	v9 =	vperm.xlane v9, v4;
	vm1 =	vge.f32 v11, v13;
	v15 =	vnsel vm0, $0xFF7FC99E, v8  }
0x42: {  	v10 =	vperm.xlane v10, v4;
	v11 =	vsel vm1, v11, v13;
	v12 =	vsel vm1, v12, v14;
	(xrf0) =	vmax.scan.msk.f32 $0xffff, v15  }
0x43: {  	vm1 =	vge.f32 v5, v9;
	(xrf1) =	vsort.dscd.msk.f32 $0xffff, v11, v12  }
0x44: {  	v5 =	vsel vm1, v5, v9;
	v6 =	vsel vm1, v6, v10  }
0x45: {  	(xrf1) =	vsort.dscd.msk.f32 $0xffff, v5, v6;
	_ =	sdelay $0x2  }
0x46: {  	v5, _, _ =	vpop (xrf0)  }
0x47: {  	v5 =	vbroadcast v5, $0xF;
	_ =	sdelay $0x1  }
0x48: {  	v5 =	vsub.f32 v8, v5;
	_ =	sdelay $0x1  }
0x49: {  	v5 =	vmul.f32 $1.442695020e+00, v5;
	_ =	sdelay $0x1  }
0x4a: {  	s10 =	simm.s32 $0x280;
	(erf) = vpow2.f32 v5  }
0x4b: {  	v5 =	vld [tilespmem:s10+$0xFFFFFF80]  }
0x4c: {  	v6, v8, _ =	vpop (xrf1)  }
0x4d: {  	v6 =	vperm.xlane v6, v4  }
0x4e: {  	v9, v10, _ =	vpop (xrf1)  }
0x4f: {  	vm1 =	vge.f32 v9, v6  }
0x50: {  	v8 =	vperm.xlane v8, v4;
	(xrf1) =	vsort.dscd.msk.f32 $0xffff, v5, v0;
	v5 =	vsel vm1, v9, v6;
	_ =	sdelay $0x1  }
0x51: {  	v6 =	vsel vm1, v10, v8  }
0x52: {  	(xrf1) =	vsort.dscd.msk.f32 $0xffff, v5, v6;
	v5 =	vpop (erf)  }
0x53: {  	v5 =	vnsel vm0, $0x0, v5  }
0x54: {  	(xrf2) =	vadd.scan.msk.f32 $0xffff, v5  }
0x55: {  	v6 =	vld [tilespmem:s10+$0xFFFFFF90]  }
0x56: {  	v8 =	vld [tilespmem:s10+$0xFFFFFFA0];
	_ =	sdelay $0x1  }
0x57: {  	v11 =	vld [tilespmem:s10+$0xFFFFFFB0];
	_ =	sdelay $0x1  }
0x58: {  	(xrf1) =	vsort.dscd.msk.f32 $0xffff, v6, v1  }
0x59: {  	(xrf1) =	vsort.dscd.msk.f32 $0xffff, v8, v2;
	_ =	sdelay $0x1  }
0x5a: {  	(xrf1) =	vsort.dscd.msk.f32 $0xffff, v11, v3  }
0x5b: {  	v12, _, _ =	vpop (xrf2)  }
0x5c: {  	v9, v10, _ =	vpop (xrf1);
	v6 =	vbroadcast v12, $0xF  }
0x5d: {  	_, v13, _ =	vpop (xrf1)  }
0x5e: {  	(erf) = vrcp.f32 v6;
	_ =	sdelay $0x1  }
0x5f: {  	s18 =	simm.s32 $0x100  }
0x60: {  	v6 =	vadd.s32 s18, v13;
	_ =	sdelay $0x3  }
0x61: {  	v11, v12, _ =	vpop (xrf1)  }
0x62: {  	v14, v15, _ =	vpop (xrf1);
	v6 =	vld.idx.msk [tilespmem:v6+s9+$0x0], $0xffff  }
0x63: {  	v8 =	vpop (erf)  }
0x64: {  	s8 =	simm.s32 $0x8010;
	v5 =	vmul.f32 v8, v5;
	v8, v16, _ =	vpop (xrf1)  }
0x65: {  	s28 =	simm.s32 $0x8890;
	s19 =	simm.s32 $0x40;
	[tilespmem:s8+$0xFFFFFFF0] =	vst.msk $0xff, v7;
	v7 =	vperm.xlane v8, v4  }
0x66: {  	s20 =	sor.u32 $0x50, s19;
	v8 =	vperm.xlane v11, v4;
	v11 =	vperm.xlane v16, v4;
	[tilespmem:s28+$0xFFFFFFF0] =	vst.msk $0xff, v5  }
0x67: {  	s21 =	sor.u32 $0x70, s19;
	v5 =	vnsel vm0, $0xFF7FC99E, v6;
	v46 =	vld [tilespmem:s20+$0x0];
	vm1 =	vge.f32 v14, v7  }
0x68: {  	(xrf0) =	vmax.scan.msk.f32 $0xffff, v5;
	v5 =	vperm.xlane v12, v4;
	v12 =	vld [tilespmem:s21+$0x0];
	v7 =	vsel vm1, v14, v7;
	v11 =	vsel vm1, v15, v11  }
0x69: {  	s22 =	sor.u32 $0x60, s19;
	vm2 =	vge.f32 v9, v8;
	(xrf1) =	vsort.dscd.msk.f32 $0xffff, v7, v11  }
0x6a: {  	v8 =	vsel vm2, v9, v8;
	v5 =	vsel vm2, v10, v5;
	v7 =	vld [tilespmem:s22+$0x0]  }
0x6b: {  	(xrf1) =	vsort.dscd.msk.f32 $0xffff, v8, v5  }
0x6c: {  	(xrf1) =	vsort.dscd.msk.f32 $0xffff, v46, v1  }
0x6d: {  	v5 =	vld [tilespmem:s2+$0xFFFFFFC0];
	(xrf1) =	vsort.dscd.msk.f32 $0xffff, v12, v3  }
0x6e: {  	v8, _, _ =	vpop (xrf0)  }
0x6f: {  	v8 =	vbroadcast v8, $0xF;
	(xrf1) =	vsort.dscd.msk.f32 $0xffff, v7, v2;
	_ =	sdelay $0x1  }
0x70: {  	v6 =	vsub.f32 v6, v8  }
0x71: {  	(xrf1) =	vsort.dscd.msk.f32 $0xffff, v5, v0  }
0x72: {  	v5 =	vmul.f32 $1.442695020e+00, v6;
	_ =	sdelay $0x1  }
0x73: {  	s12 =	simm.s32 $0x380;
	(erf) = vpow2.f32 v5  }
0x74: {  	v5 =	vld [tilespmem:s12+$0xFFFFFF80]  }
0x75: {  	v6, v7, _ =	vpop (xrf1)  }
0x76: {  	v6 =	vperm.xlane v6, v4  }
0x77: {  	v8, v9, _ =	vpop (xrf1)  }
0x78: {  	v7 =	vperm.xlane v7, v4;
	v10, v11, _ =	vpop (xrf1);
	vm1 =	vge.f32 v8, v6  }
0x79: {  	(xrf1) =	vsort.dscd.msk.f32 $0xffff, v5, v0;
	v12, v14, _ =	vpop (xrf1);
	v6 =	vsel vm1, v8, v6  }
0x7a: {  	v7 =	vsel vm1, v9, v7  }
0x7b: {  	v5 =	vperm.xlane v12, v4;
	(xrf1) =	vsort.dscd.msk.f32 $0xffff, v6, v7;
	v9, v12, _ =	vpop (xrf1)  }
0x7c: {  	v8 =	vperm.xlane v14, v4;
	v6 =	vpop (erf)  }
0x7d: {  	v7 =	vperm.xlane v10, v4;
	vm1 =	vge.f32 v9, v5;
	v6 =	vnsel vm0, $0x0, v6  }
0x7e: {  	v10 =	vperm.xlane v11, v4;
	v5 =	vsel vm1, v9, v5;
	v8 =	vsel vm1, v12, v8;
	v9, v11, _ =	vpop (xrf1);
	(xrf2) =	vadd.scan.msk.f32 $0xffff, v6  }
0x7f: {  	vm1 =	vge.f32 v9, v7;
	(xrf1) =	vsort.dscd.msk.f32 $0xffff, v5, v8  }
0x80: {  	v5 =	vsel vm1, v9, v7;
	v7 =	vsel vm1, v11, v10  }
0x81: {  	(xrf1) =	vsort.dscd.msk.f32 $0xffff, v5, v7;
	v5 =	vld [tilespmem:s12+$0xFFFFFF90]  }
0x82: {  	v7 =	vld [tilespmem:s12+$0xFFFFFFA0];
	_ =	sdelay $0x1  }
0x83: {  	v8 =	vld [tilespmem:s12+$0xFFFFFFB0];
	_ =	sdelay $0x1  }
0x84: {  	(xrf1) =	vsort.dscd.msk.f32 $0xffff, v5, v1  }
0x85: {  	(xrf1) =	vsort.dscd.msk.f32 $0xffff, v7, v2;
	v7, v9, _ =	vpop (xrf1)  }
0x86: {  	v5, _, _ =	vpop (xrf2)  }
0x87: {  	s6 =	simm.s32 $0x200;
	(xrf1) =	vsort.dscd.msk.f32 $0xffff, v8, v3;
	_, v8, _ =	vpop (xrf1);
	v5 =	vbroadcast v5, $0xF  }
0x88: {  	v10 =	vadd.s32 s6, v8  }
0x89: {  	(erf) = vrcp.f32 v5;
	_ =	sdelay $0x1  }
0x8a: {  	v5, v11, _ =	vpop (xrf1)  }
0x8b: {  	v5 =	vperm.xlane v5, v4  }
0x8c: {  	v12, v14, _ =	vpop (xrf1);
	v10 =	vld.idx.msk [tilespmem:v10+s9+$0x0], $0xffff  }
0x8d: {  	v11 =	vperm.xlane v11, v4;
	vm1 =	vge.f32 v12, v5  }
0x8e: {  	v5 =	vsel vm1, v12, v5  }
0x8f: {  	v11 =	vsel vm1, v14, v11  }
0x90: {  	(xrf1) =	vsort.dscd.msk.f32 $0xffff, v5, v11  }
0x91: {  	v14 =	vnsel vm0, $0xFF7FC99E, v10;
	v5 =	vpop (erf)  }
0x92: {  	v11, v12, _ =	vpop (xrf1)  }
0x93: {  	v15, v47, _ =	vpop (xrf1)  }
0x94: {  	(xrf0) =	vmax.scan.msk.f32 $0xffff, v14;
	v14, v17, _ =	vpop (xrf1)  }
0x95: {  	v5 =	vmul.f32 v5, v6;
	v6 =	vperm.xlane v14, v4;
	_ =	sdelay $0x1  }
0x96: {  	s13 =	simm.s32 $0x8030;
	vm1 =	vge.f32 v15, v6  }
0x97: {  	s23 =	simm.s32 $0x140;
	s14 =	simm.s32 $0x88B0;
	[tilespmem:s13+$0xFFFFFFF0] =	vst.msk $0xff, v13;
	v11 =	vperm.xlane v11, v4;
	v13 =	vperm.xlane v17, v4;
	v6 =	vsel vm1, v15, v6  }
0x98: {  	s4 =	sor.u32 $0x50, s23;
	[tilespmem:s14+$0xFFFFFFF0] =	vst.msk $0xff, v5;
	v5 =	vperm.xlane v12, v4  }
0x99: {  	s24 =	sor.u32 $0x70, s23;
	vm2 =	vge.f32 v7, v11;
	v12 =	vld [tilespmem:s4+$0x0];
	v13 =	vsel vm1, v47, v13  }
0x9a: {  	v14 =	vld [tilespmem:s24+$0x0];
	v7 =	vsel vm2, v7, v11;
	v5 =	vsel vm2, v9, v5;
	(xrf1) =	vsort.dscd.msk.f32 $0xffff, v6, v13;
	v6, _, _ =	vpop (xrf0)  }
0x9b: {  	s25 =	sor.u32 $0x60, s23;
	(xrf1) =	vsort.dscd.msk.f32 $0xffff, v7, v5;
	v5 =	vbroadcast v6, $0xF  }
0x9c: {  	v9 =	vld [tilespmem:s25+$0x0]  }
0x9d: {  	_, v6, _ =	vpop (xrf1);
	v5 =	vsub.f32 v10, v5  }
0x9e: {  	v7 =	vld [tilespmem:s3+$0xFFFFFFC0];
	(xrf1) =	vsort.dscd.msk.f32 $0xffff, v12, v1;
	v10 =	vadd.s32 s19, v6  }
0x9f: {  	(xrf1) =	vsort.dscd.msk.f32 $0xffff, v14, v3;
	v5 =	vmul.f32 $1.442695020e+00, v5;
	_ =	sdelay $0x1  }
0xa0: {  	(xrf1) =	vsort.dscd.msk.f32 $0xffff, v9, v2;
	(erf) = vpow2.f32 v5;
	_ =	sdelay $0x1  }
0xa1: {  	(xrf1) =	vsort.dscd.msk.f32 $0xffff, v7, v0;
	v5 =	vld.idx.msk [tilespmem:v10+s9+$0x0], $0xffff;
	_ =	sdelay $0x3  }
0xa2: {  	s24 =	simm.s32 $0x480  }
0xa3: {  	v7 =	vld [tilespmem:s24+$0xFFFFFF80];
	v9 =	vnsel vm0, $0xFF7FC99E, v5  }
0xa4: {  	v10, v11, _ =	vpop (xrf1)  }
0xa5: {  	v10 =	vperm.xlane v10, v4;
	(xrf0) =	vmax.scan.msk.f32 $0xffff, v9;
	v13 =	vpop (erf)  }
0xa6: {  	v11 =	vperm.xlane v11, v4;
	v9, v12, _ =	vpop (xrf1)  }
0xa7: {  	v14, v15, _ =	vpop (xrf1);
	vm1 =	vge.f32 v9, v10  }
0xa8: {  	(xrf1) =	vsort.dscd.msk.f32 $0xffff, v7, v0;
	v7 =	vnsel vm0, $0x0, v13;
	v13, v48, _ =	vpop (xrf1);
	v9 =	vsel vm1, v9, v10;
	v10 =	vsel vm1, v12, v11  }
0xa9: {  	(xrf2) =	vadd.scan.msk.f32 $0xffff, v7;
	v11 =	vperm.xlane v13, v4  }
0xaa: {  	(xrf1) =	vsort.dscd.msk.f32 $0xffff, v9, v10;
	v9 =	vperm.xlane v48, v4;
	v12, v13, _ =	vpop (xrf1)  }
0xab: {  	v14 =	vperm.xlane v14, v4;
	v15 =	vperm.xlane v15, v4;
	v10, _, _ =	vpop (xrf0);
	vm1 =	vge.f32 v12, v11  }
0xac: {  	v10 =	vbroadcast v10, $0xF;
	v11 =	vsel vm1, v12, v11;
	v9 =	vsel vm1, v13, v9;
	v12, v13, _ =	vpop (xrf1)  }
0xad: {  	vm1 =	vge.f32 v12, v14;
	(xrf1) =	vsort.dscd.msk.f32 $0xffff, v11, v9  }
0xae: {  	v5 =	vsub.f32 v5, v10;
	v10 =	vsel vm1, v12, v14;
	v11 =	vsel vm1, v13, v15  }
0xaf: {  	v49 =	vld [tilespmem:s24+$0xFFFFFF90];
	(xrf1) =	vsort.dscd.msk.f32 $0xffff, v10, v11  }
0xb0: {  	v9 =	vld [tilespmem:s24+$0xFFFFFFA0];
	v5 =	vmul.f32 $1.442695020e+00, v5  }
0xb1: {  	v12 =	vld [tilespmem:s24+$0xFFFFFFB0];
	_ =	sdelay $0x2  }
0xb2: {  	(xrf1) =	vsort.dscd.msk.f32 $0xffff, v49, v1;
	(erf) = vpow2.f32 v5;
	v5, _, _ =	vpop (xrf2)  }
0xb3: {  	(xrf1) =	vsort.dscd.msk.f32 $0xffff, v9, v2;
	v5 =	vbroadcast v5, $0xF  }
0xb4: {  	(xrf1) =	vsort.dscd.msk.f32 $0xffff, v12, v3;
	_ =	sdelay $0x2  }
0xb5: {  	v9, v10, _ =	vpop (xrf1)  }
0xb6: {  	(erf) = vrcp.f32 v5;
	_, v5, _ =	vpop (xrf1)  }
0xb7: {  	v13, v14, _ =	vpop (xrf1)  }
0xb8: {  	s11 =	simm.s32 $0x300;
	v13 =	vperm.xlane v13, v4  }
0xb9: {  	v11 =	vadd.s32 s11, v5;
	v14 =	vperm.xlane v14, v4;
	v15, v50, _ =	vpop (xrf1)  }
0xba: {  	vm1 =	vge.f32 v15, v13  }
0xbb: {  	v12 =	vpop (erf);
	v14 =	vsel vm1, v50, v14  }
0xbc: {  	v12 =	vnsel vm0, $0x0, v12;
	v13 =	vsel vm1, v15, v13  }
0xbd: {  	(xrf2) =	vadd.scan.msk.f32 $0xffff, v12  }
0xbe: {  	v15, v52, _ =	vpop (xrf1);
	v11 =	vld.idx.msk [tilespmem:v11+s9+$0x0], $0xffff  }
0xbf: {  	(xrf1) =	vsort.dscd.msk.f32 $0xffff, v13, v14;
	v13, v14, _ =	vpop (xrf1)  }
0xc0: {  	v18, v19, _ =	vpop (xrf1)  }
0xc1: {  	v53 =	vperm.xlane v18, v4  }
0xc2: {  	s17 =	simm.s32 $0x8050;
	v51 =	vpop (erf)  }
0xc3: {  	[tilespmem:s17+$0xFFFFFFF0] =	vst.msk $0xff, v8;
	v7 =	vmul.f32 v51, v7;
	v54 =	vnsel vm0, $0xFF7FC99E, v11;
	vm1 =	vge.f32 v13, v53  }
0xc4: {  	s20 =	simm.s32 $0x88D0;
	v15 =	vperm.xlane v15, v4;
	v8 =	vperm.xlane v19, v4;
	(xrf0) =	vmax.scan.msk.f32 $0xffff, v54;
	v13 =	vsel vm1, v13, v53  }
0xc5: {  	s26 =	simm.s32 $0x240;
	[tilespmem:s20+$0xFFFFFFF0] =	vst.msk $0xff, v7;
	v7 =	vperm.xlane v52, v4  }
0xc6: {  	s7 =	sor.u32 $0x50, s26;
	v8 =	vsel vm1, v14, v8;
	vm1 =	vge.f32 v9, v15  }
0xc7: {  	s15 =	sor.u32 $0x70, s26;
	v55 =	vld [tilespmem:s7+$0x0];
	(xrf1) =	vsort.dscd.msk.f32 $0xffff, v13, v8;
	v7 =	vsel vm1, v10, v7;
	v13, _, _ =	vpop (xrf2)  }
0xc8: {  	v8 =	vld [tilespmem:s15+$0x0];
	v10 =	vbroadcast v13, $0xF  }
0xc9: {  	v9 =	vsel vm1, v9, v15  }
0xca: {  	s16 =	sor.u32 $0x60, s26;
	(xrf1) =	vsort.dscd.msk.f32 $0xffff, v9, v7;
	v7, _, _ =	vpop (xrf0);
	(erf) = vrcp.f32 v10  }
0xcb: {  	v9 =	vld [tilespmem:s16+$0x0];
	v7 =	vbroadcast v7, $0xF  }
0xcc: {  	(xrf1) =	vsort.dscd.msk.f32 $0xffff, v55, v1  }
0xcd: {  	(xrf1) =	vsort.dscd.msk.f32 $0xffff, v8, v3;
	v8 =	vsub.f32 v11, v7;
	_ =	sdelay $0x1  }
0xce: {  	v8 =	vmul.f32 $1.442695020e+00, v8  }
0xcf: {  	(xrf1) =	vsort.dscd.msk.f32 $0xffff, v9, v2  }
0xd0: {  	v10 =	vld [tilespmem:s10+$0xFFFFFFC0];
	_, v7, _ =	vpop (xrf1);
	(erf) = vpow2.f32 v8  }
0xd1: {  	v9 =	vadd.s32 s23, v7  }
0xd2: {  	v8 =	vpop (erf)  }
0xd3: {  	s19 =	simm.s32 $0x580;
	v8 =	vmul.f32 v8, v12  }
0xd4: {  	v11 =	vld [tilespmem:s19+$0xFFFFFF80]  }
0xd5: {  	(xrf1) =	vsort.dscd.msk.f32 $0xffff, v10, v0;
	v12, v13, _ =	vpop (xrf1)  }
0xd6: {  	[tilespmem:s8+$0xFFFFFFF8] =	vst.msk $0xff, v6;
	v9 =	vld.idx.msk [tilespmem:v9+s9+$0x0], $0xffff;
	v6 =	vperm.xlane v12, v4;
	v12 =	vperm.xlane v13, v4  }
0xd7: {  	[tilespmem:s28+$0xFFFFFFF8] =	vst.msk $0xff, v8;
	v8, v10, _ =	vpop (xrf1)  }
0xd8: {  	v13 =	vld [tilespmem:s2+$0x30];
	vm1 =	vge.f32 v8, v6  }
0xd9: {  	(xrf1) =	vsort.dscd.msk.f32 $0xffff, v11, v0;
	v56 =	vpop (erf);
	v6 =	vsel vm1, v8, v6;
	v8 =	vsel vm1, v10, v12;
	v10 =	vld [tilespmem:s2+$0x10]  }
0xda: {  	v14, v15, _ =	vpop (xrf1);
	v16 =	vnsel vm0, $0x0, v56;
	(xrf1) =	vsort.dscd.msk.f32 $0xffff, v6, v8;
	v8 =	vld [tilespmem:s2+$0x20]  }
0xdb: {  	v11, v12, _ =	vpop (xrf1);
	(xrf2) =	vadd.scan.msk.f32 $0xffff, v16;
	v6 =	vnsel vm0, $0xFF7FC99E, v9  }
0xdc: {  	(xrf0) =	vmax.scan.msk.f32 $0xffff, v6;
	v6 =	vperm.xlane v11, v4;
	v11 =	vld [tilespmem:s2+$0x0]  }
0xdd: {  	v12 =	vperm.xlane v12, v4;
	(xrf1) =	vsort.dscd.msk.f32 $0xffff, v13, v3;
	v13, v57, _ =	vpop (xrf1)  }
0xde: {  	vm1 =	vge.f32 v13, v6;
	(xrf1) =	vsort.dscd.msk.f32 $0xffff, v10, v1  }
0xdf: {  	v6 =	vsel vm1, v13, v6;
	v10 =	vsel vm1, v57, v12;
	(xrf1) =	vsort.dscd.msk.f32 $0xffff, v8, v2  }
0xe0: {  	(xrf1) =	vsort.dscd.msk.f32 $0xffff, v6, v10  }
0xe1: {  	(xrf1) =	vsort.dscd.msk.f32 $0xffff, v11, v0  }
0xe2: {  	v8 =	vperm.xlane v14, v4;
	v6, _, _ =	vpop (xrf0)  }
0xe3: {  	v10 =	vperm.xlane v15, v4;
	v11, v12, _ =	vpop (xrf1);
	v6 =	vbroadcast v6, $0xF  }
0xe4: {  	v13 =	vld [tilespmem:s19+$0xFFFFFF90];
	vm1 =	vge.f32 v11, v8  }
0xe5: {  	v8 =	vsel vm1, v11, v8;
	v10 =	vsel vm1, v12, v10;
	v6 =	vsub.f32 v9, v6;
	v9 =	vld [tilespmem:s19+$0xFFFFFFA0]  }
0xe6: {  	(xrf1) =	vsort.dscd.msk.f32 $0xffff, v8, v10  }
0xe7: {  	v11 =	vld [tilespmem:s19+$0xFFFFFFB0];
	v12 =	vmul.f32 $1.442695020e+00, v6  }
0xe8: {  	v14, _, _ =	vpop (xrf2)  }
0xe9: {  	v8, v10, _ =	vpop (xrf1);
	(xrf1) =	vsort.dscd.msk.f32 $0xffff, v13, v1  }
0xea: {  	_, v6, _ =	vpop (xrf1);
	(xrf1) =	vsort.dscd.msk.f32 $0xffff, v9, v2;
	v9 =	vbroadcast v14, $0xF  }
0xeb: {  	(erf) = vpow2.f32 v12;
	v12, v13, _ =	vpop (xrf1)  }
0xec: {  	(xrf1) =	vsort.dscd.msk.f32 $0xffff, v11, v3;
	v11 =	vperm.xlane v12, v4;
	v12, v14, _ =	vpop (xrf1)  }
0xed: {  	v13 =	vperm.xlane v13, v4;
	v15, v58, _ =	vpop (xrf1)  }
0xee: {  	(erf) = vrcp.f32 v9;
	v12 =	vperm.xlane v12, v4;
	v9, v59, _ =	vpop (xrf1);
	vm1 =	vge.f32 v15, v11  }
0xef: {  	v14 =	vperm.xlane v14, v4;
	v11 =	vsel vm1, v15, v11;
	v15, v60, _ =	vpop (xrf1)  }
0xf0: {  	v13 =	vsel vm1, v58, v13;
	vm1 =	vge.f32 v15, v12  }
0xf1: {  	(xrf1) =	vsort.dscd.msk.f32 $0xffff, v11, v13;
	v11 =	vsel vm1, v15, v12;
	v12 =	vsel vm1, v60, v14;
	_ =	sdelay $0x1  }
0xf2: {  	v9 =	vperm.xlane v9, v4  }
0xf3: {  	v15 =	vperm.xlane v59, v4;
	(xrf1) =	vsort.dscd.msk.f32 $0xffff, v11, v12;
	v12, v14, _ =	vpop (xrf1)  }
0xf4: {  	s0 =	simm.s32 $0x400;
	vm1 =	vge.f32 v12, v9  }
0xf5: {  	v13 =	vadd.s32 s0, v6;
	v11 =	vpop (erf);
	v9 =	vsel vm1, v12, v9;
	v12 =	vsel vm1, v14, v15  }
0xf6: {  	v11 =	vnsel vm0, $0x0, v11  }
0xf7: {  	(xrf2) =	vadd.scan.msk.f32 $0xffff, v11  }
0xf8: {  	v14, v15, _ =	vpop (xrf1)  }
0xf9: {  	(xrf1) =	vsort.dscd.msk.f32 $0xffff, v9, v12;
	v9, v12, _ =	vpop (xrf1)  }
0xfa: {  	v13 =	vld.idx.msk [tilespmem:v13+s9+$0x0], $0xffff;
	v63, v62, _ =	vpop (xrf1)  }
0xfb: {  	v21 =	vperm.xlane v63, v4  }
0xfc: {  	v22 =	vperm.xlane v62, v4  }
0xfd: {  	v61 =	vpop (erf);
	vm1 =	vge.f32 v9, v21  }
0xfe: {  	s15 =	simm.s32 $0x8070;
	v16 =	vmul.f32 v61, v16;
	v12 =	vsel vm1, v12, v22  }
0xff: {  	s5 =	simm.s32 $0x340;
	[tilespmem:s15+$0xFFFFFFF0] =	vst.msk $0xff, v5;
	s16 =	simm.s32 $0x88F0;
	v5 =	vnsel vm0, $0xFF7FC99E, v13  }
0x100: {  	s18 =	sor.u32 $0x50, s5;
	v14 =	vperm.xlane v14, v4;
	[tilespmem:s16+$0xFFFFFFF0] =	vst.msk $0xff, v16;
	(xrf0) =	vmax.scan.msk.f32 $0xffff, v5;
	v9 =	vsel vm1, v9, v21  }
0x101: {  	v5 =	vperm.xlane v15, v4;
	v15 =	vld [tilespmem:s18+$0x0];
	(xrf1) =	vsort.dscd.msk.f32 $0xffff, v9, v12;
	v12, _, _ =	vpop (xrf2)  }
0x102: {  	vm2 =	vge.f32 v8, v14;
	v23, v24, _ =	vpop (xrf1);
	v12 =	vbroadcast v12, $0xF  }
0x103: {  	v8 =	vsel vm2, v8, v14;
	v14 =	vperm.xlane v23, v4  }
0x104: {  	s21 =	sor.u32 $0x70, s5;
	v5 =	vsel vm2, v10, v5;
	v10 =	vperm.xlane v24, v4;
	v25, v26, _ =	vpop (xrf1)  }
0x105: {  	v9 =	vld [tilespmem:s21+$0x0];
	(xrf1) =	vsort.dscd.msk.f32 $0xffff, v8, v5;
	vm1 =	vge.f32 v25, v14  }
0x106: {  	s22 =	sor.u32 $0x60, s5;
	(xrf1) =	vsort.dscd.msk.f32 $0xffff, v15, v1;
	v5 =	vsel vm1, v25, v14;
	v8 =	vsel vm1, v26, v10;
	(erf) = vrcp.f32 v12;
	v12, _, _ =	vpop (xrf0)  }
0x107: {  	v10 =	vld [tilespmem:s22+$0x0];
	(xrf1) =	vsort.dscd.msk.f32 $0xffff, v5, v8;
	v5 =	vbroadcast v12, $0xF;
	_ =	sdelay $0x1  }
0x108: {  	v5 =	vsub.f32 v13, v5  }
0x109: {  	(xrf1) =	vsort.dscd.msk.f32 $0xffff, v9, v3  }
0x10a: {  	v5 =	vmul.f32 $1.442695020e+00, v5  }
0x10b: {  	(xrf1) =	vsort.dscd.msk.f32 $0xffff, v10, v2  }
0x10c: {  	_, v9, _ =	vpop (xrf1)  }
0x10d: {  	v8 =	vadd.s32 s26, v9;
	v10 =	vld [tilespmem:s12+$0xFFFFFFC0]  }
0x10e: {  	(erf) = vpow2.f32 v5;
	v5 =	vpop (erf)  }
0x10f: {  	v5 =	vmul.f32 v5, v11;
	v11, v13, _ =	vpop (xrf1)  }
0x110: {  	s25 =	simm.s32 $0x680;
	[tilespmem:s13+$0xFFFFFFF8] =	vst.msk $0xff, v7;
	v7 =	vperm.xlane v11, v4  }
0x111: {  	v12 =	vld [tilespmem:s25+$0xFFFFFF80]  }
0x112: {  	v8 =	vld.idx.msk [tilespmem:v8+s9+$0x0], $0xffff;
	(xrf1) =	vsort.dscd.msk.f32 $0xffff, v10, v0  }
0x113: {  	[tilespmem:s14+$0xFFFFFFF8] =	vst.msk $0xff, v5;
	v5, v10, _ =	vpop (xrf1)  }
0x114: {  	v11 =	vperm.xlane v13, v4;
	v13 =	vld [tilespmem:s3+$0x30];
	vm1 =	vge.f32 v5, v7;
	v14, v15, _ =	vpop (xrf1)  }
0x115: {  	s23 =	simm.s32 $0x80;
	v5 =	vsel vm1, v5, v7;
	_, v7, _ =	vpop (xrf1)  }
0x116: {  	(xrf1) =	vsort.dscd.msk.f32 $0xffff, v12, v0;
	v10 =	vsel vm1, v10, v11;
	v11 =	vld [tilespmem:s3+$0x10];
	v28 =	vadd.s32 s23, v7  }
0x117: {  	v12, v27, _ =	vpop (xrf1);
	(xrf1) =	vsort.dscd.msk.f32 $0xffff, v5, v10;
	v5 =	vnsel vm0, $0xFF7FC99E, v8;
	v10 =	vld [tilespmem:s3+$0x20]  }
0x118: {  	v29 =	vpop (erf);
	(xrf0) =	vmax.scan.msk.f32 $0xffff, v5;
	v5 =	vperm.xlane v12, v4  }
0x119: {  	v18 =	vnsel vm0, $0x0, v29;
	v12 =	vld [tilespmem:s3+$0x0];
	(xrf1) =	vsort.dscd.msk.f32 $0xffff, v13, v3;
	v31, v30, _ =	vpop (xrf1)  }
0x11a: {  	(xrf2) =	vadd.scan.msk.f32 $0xffff, v18;
	v13 =	vperm.xlane v27, v4;
	vm1 =	vge.f32 v31, v5  }
0x11b: {  	(xrf1) =	vsort.dscd.msk.f32 $0xffff, v11, v1;
	v5 =	vsel vm1, v31, v5;
	v11 =	vld.idx.msk [tilespmem:v28+s9+$0x0], $0xffff  }
0x11c: {  	v13 =	vsel vm1, v30, v13;
	(xrf1) =	vsort.dscd.msk.f32 $0xffff, v10, v2  }
0x11d: {  	(xrf1) =	vsort.dscd.msk.f32 $0xffff, v5, v13  }
0x11e: {  	(xrf1) =	vsort.dscd.msk.f32 $0xffff, v12, v0;
	v5, _, _ =	vpop (xrf0)  }
0x11f: {  	v10 =	vperm.xlane v14, v4;
	v5 =	vbroadcast v5, $0xF  }
0x120: {  	v13 =	vperm.xlane v15, v4;
	v14, v15, _ =	vpop (xrf1);
	v12 =	vnsel vm0, $0xFF7FC99E, v11  }
0x121: {  	vm1 =	vge.f32 v14, v10;
	v5 =	vsub.f32 v8, v5;
	(xrf0) =	vmax.scan.msk.f32 $0xffff, v12;
	v12 =	vld [tilespmem:s25+$0xFFFFFF90]  }
0x122: {  	v8 =	vsel vm1, v14, v10;
	v10 =	vsel vm1, v15, v13  }
0x123: {  	(xrf1) =	vsort.dscd.msk.f32 $0xffff, v8, v10;
	v8 =	vmul.f32 $1.442695020e+00, v5  }
0x124: {  	v13 =	vld [tilespmem:s25+$0xFFFFFFA0];
	v14, v15, _ =	vpop (xrf1)  }
0x125: {  	v10 =	vld [tilespmem:s25+$0xFFFFFFB0];
	v32, _, _ =	vpop (xrf2)  }
0x126: {  	_, v5, _ =	vpop (xrf1);
	(xrf1) =	vsort.dscd.msk.f32 $0xffff, v12, v1;
	v12 =	vbroadcast v32, $0xF  }
0x127: {  	(erf) = vpow2.f32 v8;
	v8, v33, _ =	vpop (xrf1)  }
0x128: {  	v34, _, _ =	vpop (xrf0)  }
0x129: {  	(xrf1) =	vsort.dscd.msk.f32 $0xffff, v13, v2;
	v8 =	vperm.xlane v8, v4;
	v13, v35, _ =	vpop (xrf1)  }
0x12a: {  	v16 =	vbroadcast v34, $0xF;
	(xrf1) =	vsort.dscd.msk.f32 $0xffff, v10, v3;
	(erf) = vrcp.f32 v12;
	v12, v36, _ =	vpop (xrf1)  }
0x12b: {  	v10 =	vperm.xlane v33, v4;
	v13 =	vperm.xlane v13, v4;
	v20, v21, _ =	vpop (xrf1);
	vm1 =	vge.f32 v12, v8  }
0x12c: {  	v37 =	vperm.xlane v35, v4;
	v8 =	vsel vm1, v12, v8;
	v12, v38, _ =	vpop (xrf1)  }
0x12d: {  	v11 =	vsub.f32 v11, v16;
	v10 =	vsel vm1, v36, v10;
	vm1 =	vge.f32 v12, v13  }
0x12e: {  	(xrf1) =	vsort.dscd.msk.f32 $0xffff, v8, v10;
	v10 =	vsel vm1, v12, v13  }
0x12f: {  	v8 =	vmul.f32 $1.442695020e+00, v11;
	v11 =	vsel vm1, v38, v37  }
0x130: {  	s1 =	simm.s32 $0x500  }
0x131: {  	v12 =	vadd.s32 s1, v5;
	(xrf1) =	vsort.dscd.msk.f32 $0xffff, v10, v11;
	v10 =	vpop (erf);
	(erf) = vpow2.f32 v8;
	v8 =	vperm.xlane v20, v4  }
0x132: {  	v39 =	vperm.xlane v21, v4;
	v11, v13, _ =	vpop (xrf1)  }
0x133: {  	vm1 =	vge.f32 v11, v8  }
0x134: {  	v10 =	vnsel vm0, $0x0, v10;
	v8 =	vsel vm1, v11, v8;
	v11 =	vsel vm1, v13, v39  }
0x135: {  	(xrf2) =	vadd.scan.msk.f32 $0xffff, v10  }
0x136: {  	v12 =	vld.idx.msk [tilespmem:v12+s9+$0x0], $0xffff  }
0x137: {  	v13 =	vpop (erf)  }
0x138: {  	(xrf1) =	vsort.dscd.msk.f32 $0xffff, v8, v11;
	v8, v11, _ =	vpop (xrf1)  }
0x139: {  	s21 =	simm.s32 $0x8090;
	v13 =	vmul.f32 v13, v18;
	v41, v40, _ =	vpop (xrf1)  }
0x13a: {  	[tilespmem:s21+$0xFFFFFFF0] =	vst.msk $0xff, v6;
	s22 =	simm.s32 $0x8910;
	v8 =	vperm.xlane v8, v4;
	v43, v42, _ =	vpop (xrf1)  }
0x13b: {  	s4 =	simm.s32 $0x440;
	[tilespmem:s22+$0xFFFFFFF0] =	vst.msk $0xff, v13;
	v6 =	vnsel vm0, $0xFF7FC99E, v12;
	v44 =	vpop (erf);
	v18 =	vperm.xlane v43, v4  }
0x13c: {  	s7 =	sor.u32 $0x50, s4;
	(xrf0) =	vmax.scan.msk.f32 $0xffff, v6;
	v6 =	vperm.xlane v42, v4;
	v13 =	vnsel vm0, $0x0, v44;
	vm1 =	vge.f32 v14, v8  }
0x13d: {  	v45 =	vld [tilespmem:s7+$0x0];
	v11 =	vperm.xlane v11, v4;
	(xrf2) =	vadd.scan.msk.f32 $0xffff, v13;
	v8 =	vsel vm1, v14, v8;
	v14, v46, _ =	vpop (xrf1);
	vm2 =	vge.f32 v41, v18  }
0x13e: {  	v14 =	vperm.xlane v14, v4;
	v16 =	vsel vm2, v41, v18;
	v6 =	vsel vm2, v40, v6  }
0x13f: {  	s26 =	sor.u32 $0x70, s4;
	v11 =	vsel vm1, v15, v11;
	v48, _, _ =	vpop (xrf2);
	(xrf1) =	vsort.dscd.msk.f32 $0xffff, v16, v6  }
0x140: {  	v47 =	vld [tilespmem:s26+$0x0];
	v15, v49, _ =	vpop (xrf1);
	v6 =	vperm.xlane v46, v4;
	(xrf1) =	vsort.dscd.msk.f32 $0xffff, v8, v11;
	v8 =	vbroadcast v48, $0xF  }
0x141: {  	vm1 =	vge.f32 v15, v14  }
0x142: {  	s18 =	sor.u32 $0x60, s4;
	v11 =	vsel vm1, v15, v14;
	(xrf1) =	vsort.dscd.msk.f32 $0xffff, v45, v1;
	v6 =	vsel vm1, v49, v6;
	v14, _, _ =	vpop (xrf0);
	(erf) = vrcp.f32 v8  }
0x143: {  	v15 =	vld [tilespmem:s18+$0x0];
	(xrf1) =	vsort.dscd.msk.f32 $0xffff, v11, v6;
	v6 =	vbroadcast v14, $0xF;
	_ =	sdelay $0x1  }
0x144: {  	v11 =	vld [tilespmem:s24+$0xFFFFFFC0];
	(xrf1) =	vsort.dscd.msk.f32 $0xffff, v47, v3;
	v6 =	vsub.f32 v12, v6  }
0x145: {  	_, v8, _ =	vpop (xrf1)  }
0x146: {  	v12, _, _ =	vpop (xrf2);
	v6 =	vmul.f32 $1.442695020e+00, v6  }
0x147: {  	(xrf1) =	vsort.dscd.msk.f32 $0xffff, v15, v2;
	v14 =	vadd.s32 s5, v8;
	v12 =	vbroadcast v12, $0xF;
	_ =	sdelay $0x1  }
0x148: {  	(xrf1) =	vsort.dscd.msk.f32 $0xffff, v11, v0  }
0x149: {  	s23 =	simm.s32 $0x780;
	(erf) = vpow2.f32 v6;
	v6 =	vpop (erf)  }
0x14a: {  	v11 =	vld [tilespmem:s23+$0xFFFFFF80];
	(erf) = vrcp.f32 v12;
	v6 =	vmul.f32 v6, v10  }
0x14b: {  	[tilespmem:s17+$0xFFFFFFF8] =	vst.msk $0xff, v9;
	v14 =	vld.idx.msk [tilespmem:v14+s9+$0x0], $0xffff;
	v10, v12, _ =	vpop (xrf1)  }
0x14c: {  	v10 =	vperm.xlane v10, v4;
	[tilespmem:s20+$0xFFFFFFF8] =	vst.msk $0xff, v6  }
0x14d: {  	v15, v50, _ =	vpop (xrf1);
	v6 =	vperm.xlane v12, v4;
	v52 =	vld [tilespmem:s10+$0x30]  }
0x14e: {  	v12, v51, _ =	vpop (xrf1);
	v53 =	vld [tilespmem:s10+$0x10];
	vm1 =	vge.f32 v15, v10  }
0x14f: {  	(xrf1) =	vsort.dscd.msk.f32 $0xffff, v11, v0;
	s20 =	simm.s32 $0x180;
	_, v9, _ =	vpop (xrf1);
	v10 =	vsel vm1, v15, v10;
	v6 =	vsel vm1, v50, v6  }
0x150: {  	v55 =	vld [tilespmem:s10+$0x20];
	v54 =	vadd.s32 s20, v9;
	(xrf1) =	vsort.dscd.msk.f32 $0xffff, v10, v6;
	v10 =	vnsel vm0, $0xFF7FC99E, v14  }
0x151: {  	v11, v15, _ =	vpop (xrf1);
	(xrf0) =	vmax.scan.msk.f32 $0xffff, v10  }
0x152: {  	s7 =	simm.s32 $0x8010;
	v6 =	vpop (erf);
	(xrf1) =	vsort.dscd.msk.f32 $0xffff, v52, v3  }
0x153: {  	v12 =	vperm.xlane v12, v4;
	v10 =	vpop (erf);
	v56 =	vnsel vm0, $0x0, v6;
	v6 =	vperm.xlane v11, v4;
	v11 =	vld [tilespmem:s10+$0x0];
	[dreg:$0x3] =	wrdreg s7;
	(xrf1) =	vsort.dscd.msk.f32 $0xffff, v53, v1  }
0x154: {  	s17 =	simm.s32 $0x8890;
	v10 =	vmul.f32 v10, v13;
	(xrf2) =	vadd.scan.msk.f32 $0xffff, v56;
	v13 =	vperm.xlane v15, v4;
	v15, v57, _ =	vpop (xrf1);
	[tilespmem:s8+$0x0] =	vst.msk $0xff, v7  }
0x155: {  	s7 =	simm.s32 $0xC0;
	v7 =	vld.idx.msk [tilespmem:v54+s9+$0x0], $0xffff;
	(xrf1) =	vsort.dscd.msk.f32 $0xffff, v55, v2;
	vm1 =	vge.f32 v15, v6;
	[dreg:$0x4] =	wrdreg s17  }
0x156: {  	s20 =	sor.u32 $0x70, s7;
	v58, v59, _ =	vpop (xrf1);
	[tilespmem:s28+$0x0] =	vst.msk $0xff, v10;
	v6 =	vsel vm1, v15, v6;
	v10 =	vsel vm1, v57, v13;
	v15 =	vperm.xlane v51, v4  }
0x157: {  	vm1 =	vge.f32 v58, v12;
	v13 =	vld [tilespmem:s20+$0x0];
	(xrf1) =	vsort.dscd.msk.f32 $0xffff, v6, v10  }
0x158: {  	s8 =	sor.u32 $0x50, s7;
	v10 =	vsel vm1, v58, v12;
	v12, _, _ =	vpop (xrf0);
	(xrf1) =	vsort.dscd.msk.f32 $0xffff, v11, v0;
	v11 =	vsel vm1, v59, v15  }
0x159: {  	s17 =	sor.u32 $0x60, s7;
	v6 =	vld [tilespmem:s8+$0x0];
	(xrf1) =	vsort.dscd.msk.f32 $0xffff, v10, v11;
	v10 =	vbroadcast v12, $0xF  }
0x15a: {  	v15 =	vld [tilespmem:s17+$0x0];
	v11 =	vnsel vm0, $0xFF7FC99E, v7  }
0x15b: {  	v12 =	vld [tilespmem:s2+$0x40];
	(xrf0) =	vmax.scan.msk.f32 $0xffff, v11;
	v10 =	vsub.f32 v14, v10  }
0x15c: {  	(xrf1) =	vsort.dscd.msk.f32 $0xffff, v13, v3;
	v13 =	vld [tilespmem:s23+$0xFFFFFF90]  }
0x15d: {  	v11 =	vld [tilespmem:s23+$0xFFFFFFA0];
	v10 =	vmul.f32 $1.442695020e+00, v10  }
0x15e: {  	v14, v60, _ =	vpop (xrf1);
	(xrf1) =	vsort.dscd.msk.f32 $0xffff, v6, v1  }
0x15f: {  	(xrf1) =	vsort.dscd.msk.f32 $0xffff, v15, v2;
	v15, _, _ =	vpop (xrf2)  }
0x160: {  	_, v6, _ =	vpop (xrf1);
	(xrf1) =	vsort.dscd.msk.f32 $0xffff, v12, v0  }
0x161: {  	(erf) = vpow2.f32 v10;
	(xrf1) =	vsort.dscd.msk.f32 $0xffff, v13, v1;
	v10, v12, _ =	vpop (xrf1)  }
0x162: {  	v61 =	vld [tilespmem:s23+$0xFFFFFFB0];
	v13, _, _ =	vpop (xrf0);
	(xrf1) =	vsort.dscd.msk.f32 $0xffff, v11, v2;
	v11 =	vbroadcast v15, $0xF  }
0x163: {  	v10 =	vperm.xlane v10, v4;
	v15, v62, _ =	vpop (xrf1);
	v13 =	vbroadcast v13, $0xF  }
0x164: {  	(erf) = vrcp.f32 v11;
	v11 =	vperm.xlane v12, v4;
	v12, v63, _ =	vpop (xrf1)  }
0x165: {  	v15 =	vperm.xlane v15, v4;
	v24, v25, _ =	vpop (xrf1);
	vm1 =	vge.f32 v12, v10  }
0x166: {  	v7 =	vsub.f32 v7, v13;
	v13 =	vperm.xlane v62, v4;
	v10 =	vsel vm1, v12, v10;
	v12, v26, _ =	vpop (xrf1)  }
0x167: {  	(xrf1) =	vsort.dscd.msk.f32 $0xffff, v61, v3;
	v11 =	vsel vm1, v63, v11;
	vm1 =	vge.f32 v12, v15  }
0x168: {  	v13 =	vsel vm1, v26, v13  }
0x169: {  	v12 =	vsel vm1, v12, v15  }
0x16a: {  	v7 =	vmul.f32 $1.442695020e+00, v7;
	v15 =	vperm.xlane v24, v4;
	v27 =	vpop (erf)  }
0x16b: {  	(xrf1) =	vsort.dscd.msk.f32 $0xffff, v10, v11;
	v11, v18, _ =	vpop (xrf1)  }
0x16c: {  	s5 =	simm.s32 $0x600;
	(erf) = vpow2.f32 v7;
	v7 =	vperm.xlane v25, v4;
	(xrf1) =	vsort.dscd.msk.f32 $0xffff, v12, v13;
	v12, v13, _ =	vpop (xrf1)  }
0x16d: {  	v10 =	vadd.s32 s5, v6;
	vm1 =	vge.f32 v11, v15;
	v12 =	vperm.xlane v12, v4;
	v28, v29, _ =	vpop (xrf1)  }
0x16e: {  	v11 =	vsel vm1, v11, v15;
	v7 =	vsel vm1, v18, v7;
	v13 =	vperm.xlane v13, v4;
	v15, v30, _ =	vpop (xrf1)  }
0x16f: {  	vm1 =	vge.f32 v15, v12  }
0x170: {  	v13 =	vsel vm1, v30, v13  }
0x171: {  	(xrf1) =	vsort.dscd.msk.f32 $0xffff, v11, v7;
	v7 =	vpop (erf);
	v12 =	vsel vm1, v15, v12  }
0x172: {  	v17 =	vnsel vm0, $0x0, v27;
	v10 =	vld.idx.msk [tilespmem:v10+s9+$0x0], $0xffff;
	v11 =	vperm.xlane v28, v4;
	v15, v32, _ =	vpop (xrf1)  }
0x173: {  	(xrf2) =	vadd.scan.msk.f32 $0xffff, v17;
	v31 =	vperm.xlane v29, v4;
	v33, v22, _ =	vpop (xrf1)  }
0x174: {  	vm1 =	vge.f32 v15, v11;
	(xrf1) =	vsort.dscd.msk.f32 $0xffff, v12, v13;
	v12, v13, _ =	vpop (xrf1)  }
0x175: {  	v7 =	vmul.f32 v7, v56;
	v11 =	vsel vm1, v15, v11;
	v15 =	vsel vm1, v32, v31;
	v18, v19, _ =	vpop (xrf1)  }
0x176: {  	s20 =	simm.s32 $0x80B0;
	(xrf1) =	vsort.dscd.msk.f32 $0xffff, v11, v15;
	v15 =	vperm.xlane v33, v4;
	v18 =	vperm.xlane v18, v4  }
0x177: {  	s8 =	simm.s32 $0x540;
	[tilespmem:s20+$0xFFFFFFF0] =	vst.msk $0xff, v5;
	s23 =	simm.s32 $0x8930;
	v5 =	vpop (erf);
	v11 =	vnsel vm0, $0xFF7FC99E, v10  }
0x178: {  	s17 =	sor.u32 $0x50, s8;
	[tilespmem:s23+$0xFFFFFFF0] =	vst.msk $0xff, v7;
	v5 =	vnsel vm0, $0x0, v5;
	(xrf0) =	vmax.scan.msk.f32 $0xffff, v11;
	vm2 =	vge.f32 v12, v18  }
0x179: {  	v7 =	vld [tilespmem:s17+$0x0];
	vm1 =	vge.f32 v14, v15;
	v11 =	vperm.xlane v19, v4;
	v12 =	vsel vm2, v12, v18  }
0x17a: {  	v34 =	vperm.xlane v22, v4;
	(xrf2) =	vadd.scan.msk.f32 $0xffff, v5;
	v14 =	vsel vm1, v14, v15;
	v15, v20, _ =	vpop (xrf1)  }
0x17b: {  	v15 =	vperm.xlane v15, v4;
	v11 =	vsel vm2, v13, v11  }
0x17c: {  	s20 =	sor.u32 $0x70, s8;
	v16 =	vsel vm1, v60, v34;
	(xrf1) =	vsort.dscd.msk.f32 $0xffff, v12, v11;
	v11 =	vperm.xlane v20, v4;
	v12, v18, _ =	vpop (xrf1)  }
0x17d: {  	v35 =	vld [tilespmem:s20+$0x0];
	v13, _, _ =	vpop (xrf2);
	(xrf1) =	vsort.dscd.msk.f32 $0xffff, v14, v16;
	vm1 =	vge.f32 v12, v15  }
0x17e: {  	s23 =	sor.u32 $0x60, s8;
	v14, _, _ =	vpop (xrf0);
	(xrf1) =	vsort.dscd.msk.f32 $0xffff, v7, v1;
	v7 =	vsel vm1, v12, v15;
	v11 =	vsel vm1, v18, v11  }
0x17f: {  	v13 =	vbroadcast v13, $0xF;
	v12 =	vld [tilespmem:s23+$0x0];
	(xrf1) =	vsort.dscd.msk.f32 $0xffff, v7, v11;
	v11 =	vbroadcast v14, $0xF;
	_ =	sdelay $0x1  }
0x180: {  	(erf) = vrcp.f32 v13  }
0x181: {  	v13 =	vld [tilespmem:s19+$0xFFFFFFC0];
	(xrf1) =	vsort.dscd.msk.f32 $0xffff, v35, v3;
	v10 =	vsub.f32 v10, v11;
	_, v7, _ =	vpop (xrf1)  }
0x182: {  	v11, v14, _ =	vpop (xrf1)  }
0x183: {  	v15, _, _ =	vpop (xrf2);
	v10 =	vmul.f32 $1.442695020e+00, v10;
	(xrf1) =	vsort.dscd.msk.f32 $0xffff, v12, v2;
	v11 =	vperm.xlane v11, v4  }
0x184: {  	v15 =	vbroadcast v15, $0xF;
	v12 =	vperm.xlane v14, v4;
	v14, v36, _ =	vpop (xrf1)  }
0x185: {  	v37 =	vadd.s32 s4, v7;
	(erf) = vpow2.f32 v10;
	vm1 =	vge.f32 v14, v11  }
0x186: {  	(xrf1) =	vsort.dscd.msk.f32 $0xffff, v13, v0;
	v10 =	vsel vm1, v14, v11  }
0x187: {  	(erf) = vrcp.f32 v15  }
0x188: {  	s31 =	simm.s32 $0x880;
	v11 =	vsel vm1, v36, v12  }
0x189: {  	(xrf1) =	vsort.dscd.msk.f32 $0xffff, v10, v11;
	v11 =	vld [tilespmem:s31+$0xFFFFFF80];
	v10 =	vpop (erf)  }
0x18a: {  	v12, v13, _ =	vpop (xrf1);
	v14 =	vld.idx.msk [tilespmem:v37+s9+$0x0], $0xffff;
	v10 =	vmul.f32 v10, v17  }
0x18b: {  	[tilespmem:s15+$0xFFFFFFF8] =	vst.msk $0xff, v8;
	v12 =	vperm.xlane v12, v4;
	v15, v38, _ =	vpop (xrf1)  }
0x18c: {  	[tilespmem:s16+$0xFFFFFFF8] =	vst.msk $0xff, v10;
	v10 =	vperm.xlane v13, v4;
	v13, v39, _ =	vpop (xrf1)  }
0x18d: {  	vm1 =	vge.f32 v15, v12;
	v40 =	vld [tilespmem:s12+$0x30];
	_, v8, _ =	vpop (xrf1)  }
0x18e: {  	s4 =	simm.s32 $0x280;
	(xrf1) =	vsort.dscd.msk.f32 $0xffff, v11, v0;
	v11 =	vsel vm1, v15, v12;
	v12 =	vld [tilespmem:s12+$0x10];
	v15 =	vpop (erf);
	v10 =	vsel vm1, v38, v10  }
0x18f: {  	v41 =	vadd.s32 s4, v8;
	v44, v43, _ =	vpop (xrf1);
	(xrf1) =	vsort.dscd.msk.f32 $0xffff, v11, v10;
	v10 =	vnsel vm0, $0xFF7FC99E, v14;
	v11 =	vld [tilespmem:s12+$0x20]  }
0x190: {  	v45 =	vld [tilespmem:s12+$0x0];
	v42 =	vpop (erf);
	s12 =	simm.s32 $0x8030;
	(xrf0) =	vmax.scan.msk.f32 $0xffff, v10;
	v10 =	vnsel vm0, $0x0, v15;
	v15 =	vperm.xlane v44, v4  }
0x191: {  	v5 =	vmul.f32 v42, v5;
	v46 =	vperm.xlane v43, v4;
	[dreg:$0x5] =	wrdreg s12;
	v48, v47, _ =	vpop (xrf1);
	(xrf2) =	vadd.scan.msk.f32 $0xffff, v10  }
0x192: {  	v13 =	vperm.xlane v13, v4;
	[tilespmem:s13+$0x0] =	vst.msk $0xff, v9;
	(xrf1) =	vsort.dscd.msk.f32 $0xffff, v40, v3;
	vm1 =	vge.f32 v48, v15  }
0x193: {  	[tilespmem:s14+$0x0] =	vst.msk $0xff, v5;
	(xrf1) =	vsort.dscd.msk.f32 $0xffff, v12, v1;
	v5 =	vsel vm1, v48, v15;
	v15 =	vsel vm1, v47, v46  }
0x194: {  	s2 =	simm.s32 $0x1C0;
	v9 =	vperm.xlane v39, v4;
	v50, v51, _ =	vpop (xrf1);
	v12 =	vld.idx.msk [tilespmem:v41+s9+$0x0], $0xffff;
	(xrf1) =	vsort.dscd.msk.f32 $0xffff, v11, v2  }
0x195: {  	s14 =	sor.u32 $0x70, s2;
	vm1 =	vge.f32 v50, v13;
	(xrf1) =	vsort.dscd.msk.f32 $0xffff, v5, v15  }
0x196: {  	v49 =	vld [tilespmem:s14+$0x0];
	v13 =	vsel vm1, v50, v13;
	v9 =	vsel vm1, v51, v9;
	v15, _, _ =	vpop (xrf0);
	(xrf1) =	vsort.dscd.msk.f32 $0xffff, v45, v0  }
0x197: {  	s15 =	sor.u32 $0x50, s2;
	(xrf1) =	vsort.dscd.msk.f32 $0xffff, v13, v9;
	v9 =	vbroadcast v15, $0xF  }
0x198: {  	s12 =	sor.u32 $0x60, s2;
	v11 =	vld [tilespmem:s15+$0x0];
	_, v5, _ =	vpop (xrf1)  }
0x199: {  	v53 =	vld [tilespmem:s12+$0x0];
	v52 =	vadd.s32 s7, v5;
	v9 =	vsub.f32 v14, v9;
	v14 =	vnsel vm0, $0xFF7FC99E, v12  }
0x19a: {  	(xrf0) =	vmax.scan.msk.f32 $0xffff, v14  }
0x19b: {  	(xrf1) =	vsort.dscd.msk.f32 $0xffff, v49, v3  }
0x19c: {  	v13 =	vld [tilespmem:s3+$0x40];
	v9 =	vmul.f32 $1.442695020e+00, v9  }
0x19d: {  	v54 =	vld [tilespmem:s31+$0xFFFFFF90];
	(xrf1) =	vsort.dscd.msk.f32 $0xffff, v11, v1  }
0x19e: {  	v14, v15, _ =	vpop (xrf1);
	(xrf1) =	vsort.dscd.msk.f32 $0xffff, v53, v2;
	v16 =	vld.idx.msk [tilespmem:v52+s9+$0x0], $0xffff  }
0x19f: {  	v11, _, _ =	vpop (xrf2);
	(erf) = vpow2.f32 v9  }
0x1a0: {  	v58, _, _ =	vpop (xrf0)  }
0x1a1: {  	_, v9, _ =	vpop (xrf1);
	(xrf1) =	vsort.dscd.msk.f32 $0xffff, v13, v0;
	v13 =	vld [tilespmem:s31+$0xFFFFFFA0];
	v21 =	vbroadcast v58, $0xF  }
0x1a2: {  	v57 =	vld [tilespmem:s31+$0xFFFFFFB0];
	v11 =	vbroadcast v11, $0xF;
	v55, v56, _ =	vpop (xrf1)  }
0x1a3: {  	(xrf1) =	vsort.dscd.msk.f32 $0xffff, v54, v1;
	v59, v23, _ =	vpop (xrf1);
	v24 =	vnsel vm0, $0xFF7FC99E, v16;
	v12 =	vsub.f32 v12, v21  }
0x1a4: {  	(erf) = vrcp.f32 v11;
	v25, v26, _ =	vpop (xrf1);
	(xrf0) =	vmax.scan.msk.f32 $0xffff, v24  }
0x1a5: {  	v18 =	vperm.xlane v55, v4;
	v62, v61, _ =	vpop (xrf1);
	v12 =	vmul.f32 $1.442695020e+00, v12  }
0x1a6: {  	s7 =	simm.s32 $0x700;
	v11 =	vperm.xlane v56, v4;
	v28 =	vperm.xlane v59, v4;
	(xrf1) =	vsort.dscd.msk.f32 $0xffff, v13, v2;
	v13, v63, _ =	vpop (xrf1)  }
0x1a7: {  	v60 =	vadd.s32 s7, v9;
	v23 =	vperm.xlane v23, v4;
	vm1 =	vge.f32 v25, v18;
	(xrf1) =	vsort.dscd.msk.f32 $0xffff, v57, v3;
	v29, v30, _ =	vpop (xrf1)  }
0x1a8: {  	v18 =	vsel vm1, v25, v18;
	v11 =	vsel vm1, v26, v11;
	v21 =	vperm.xlane v62, v4;
	v31 =	vpop (erf)  }
0x1a9: {  	vm1 =	vge.f32 v13, v28;
	(xrf1) =	vsort.dscd.msk.f32 $0xffff, v18, v11;
	v11 =	vperm.xlane v61, v4;
	(erf) = vpow2.f32 v12;
	v12, v32, _ =	vpop (xrf1)  }
0x1aa: {  	v13 =	vsel vm1, v13, v28;
	v19 =	vsel vm1, v63, v23;
	vm1 =	vge.f32 v29, v21;
	v33, _, _ =	vpop (xrf0)  }
0x1ab: {  	(xrf1) =	vsort.dscd.msk.f32 $0xffff, v13, v19;
	v13 =	vsel vm1, v29, v21;
	v36 =	vsel vm1, v30, v11;
	v34, v35, _ =	vpop (xrf1)  }
0x1ac: {  	v38, v37, _ =	vpop (xrf1);
	(xrf1) =	vsort.dscd.msk.f32 $0xffff, v13, v36;
	v13 =	vbroadcast v33, $0xF  }
0x1ad: {  	v12 =	vperm.xlane v12, v4  }
0x1ae: {  	v17 =	vld.idx.msk [tilespmem:v60+s9+$0x0], $0xffff;
	v11 =	vnsel vm0, $0x0, v31;
	v18 =	vperm.xlane v32, v4;
	v13 =	vsub.f32 v16, v13  }
0x1af: {  	v19 =	vperm.xlane v34, v4;
	v39 =	vperm.xlane v35, v4;
	vm1 =	vge.f32 v38, v12  }
0x1b0: {  	(xrf2) =	vadd.scan.msk.f32 $0xffff, v11;
	v12 =	vsel vm1, v38, v12;
	v18 =	vsel vm1, v37, v18;
	v41, v40, _ =	vpop (xrf1);
	v13 =	vmul.f32 $1.442695020e+00, v13  }
0x1b1: {  	v43 =	vpop (erf);
	(xrf1) =	vsort.dscd.msk.f32 $0xffff, v12, v18;
	vm1 =	vge.f32 v41, v19  }
0x1b2: {  	v45, v46, _ =	vpop (xrf1);
	v12 =	vsel vm1, v41, v19;
	v42 =	vsel vm1, v40, v39  }
0x1b3: {  	v44 =	vpop (erf);
	(xrf1) =	vsort.dscd.msk.f32 $0xffff, v12, v42;
	v12 =	vnsel vm0, $0xFF7FC99E, v17  }
0x1b4: {  	(erf) = vpow2.f32 v13;
	(xrf0) =	vmax.scan.msk.f32 $0xffff, v12;
	v13, v47, _ =	vpop (xrf1)  }
0x1b5: {  	s3 =	simm.s32 $0x80D0;
	v10 =	vmul.f32 v43, v10;
	v12 =	vnsel vm0, $0x0, v44;
	v49, v48, _ =	vpop (xrf1)  }
0x1b6: {  	s4 =	simm.s32 $0x8950;
	[tilespmem:s3+$0xFFFFFFF0] =	vst.msk $0xff, v6;
	(xrf2) =	vadd.scan.msk.f32 $0xffff, v12;
	v6 =	vperm.xlane v49, v4  }
0x1b7: {  	s9 =	simm.s32 $0x640;
	[tilespmem:s4+$0xFFFFFFF0] =	vst.msk $0xff, v10;
	v19 =	vperm.xlane v45, v4;
	v10 =	vperm.xlane v48, v4  }
0x1b8: {  	s13 =	sor.u32 $0x50, s9;
	v20 =	vperm.xlane v46, v4;
	vm2 =	vge.f32 v13, v6  }
0x1b9: {  	v50 =	vld [tilespmem:s13+$0x0];
	vm1 =	vge.f32 v14, v19;
	v52, v51, _ =	vpop (xrf1);
	v6 =	vsel vm2, v13, v6;
	v10 =	vsel vm2, v47, v10  }
0x1ba: {  	v14 =	vsel vm1, v14, v19;
	v15 =	vsel vm1, v15, v20;
	v57, _, _ =	vpop (xrf0);
	(xrf1) =	vsort.dscd.msk.f32 $0xffff, v6, v10  }
0x1bb: {  	s14 =	sor.u32 $0x70, s9;
	v53, _, _ =	vpop (xrf2);
	v13 =	vperm.xlane v52, v4;
	(xrf1) =	vsort.dscd.msk.f32 $0xffff, v14, v15;
	v14 =	vbroadcast v57, $0xF  }
0x1bc: {  	s15 =	sor.u32 $0x60, s9;
	v54 =	vld [tilespmem:s14+$0x0];
	v55, v56, _ =	vpop (xrf1);
	v6 =	vperm.xlane v51, v4  }
0x1bd: {  	v58 =	vld [tilespmem:s15+$0x0];
	vm1 =	vge.f32 v55, v13;
	v15 =	vpop (erf)  }
0x1be: {  	v59 =	vld [tilespmem:s25+$0xFFFFFFC0];
	(xrf1) =	vsort.dscd.msk.f32 $0xffff, v50, v1;
	v13 =	vsel vm1, v55, v13;
	v6 =	vsel vm1, v56, v6;
	_, v10, _ =	vpop (xrf1)  }
0x1bf: {  	(xrf1) =	vsort.dscd.msk.f32 $0xffff, v13, v6;
	v13 =	vsub.f32 v17, v14;
	v6 =	vnsel vm0, $0x0, v15;
	v14, v17, _ =	vpop (xrf1)  }
0x1c0: {  	v60 =	vbroadcast v53, $0xF;
	v15, _, _ =	vpop (xrf2);
	(xrf2) =	vadd.scan.msk.f32 $0xffff, v6;
	v14 =	vperm.xlane v14, v4  }
0x1c1: {  	s29 =	simm.s32 $0x780;
	s30 =	simm.s32 $0x8930;
	s26 =	simm.s32 $0x88D0;
	(xrf1) =	vsort.dscd.msk.f32 $0xffff, v54, v3;
	v13 =	vmul.f32 $1.442695020e+00, v13;
	v17 =	vperm.xlane v17, v4;
	v62, v61, _ =	vpop (xrf1)  }
0x1c2: {  	s18 =	simm.s32 $0x8050;
	s28 =	simm.s32 $0x80B0;
	s17 =	simm.s32 $0x580;
	(erf) = vrcp.f32 v60;
	v15 =	vbroadcast v15, $0xF;
	(xrf1) =	vsort.dscd.msk.f32 $0xffff, v58, v2;
	vm1 =	vge.f32 v62, v14  }
0x1c3: {  	s20 =	simm.s32 $0x380;
	s19 =	simm.s32 $0x88F0;
	s23 =	simm.s32 $0x8070;
	(erf) = vpow2.f32 v13;
	(xrf1) =	vsort.dscd.msk.f32 $0xffff, v59, v0;
	v14 =	vsel vm1, v62, v14;
	v63 =	vsel vm1, v61, v17  }
0x1c4: {  	s16 =	simm.s32 $0x88B0;
	s12 =	simm.s32 $0x20;
	v13 =	vadd.s32 s8, v10;
	s8 =	simm.s32 $0x980;
	(erf) = vrcp.f32 v15;
	(xrf1) =	vsort.dscd.msk.f32 $0xffff, v14, v63  }
.LBB2_2:
0x1c5: {  	_ =	sdelay $0x3  }
0x1c6: {  	v16, v17, _ =	vpop (xrf1)  }
0x1c7: {  	v14 =	vld [tilespmem:s8+$0xFFFFFF80];
	v62, v18, _ =	vpop (xrf1)  }
0x1c8: {  	s15 =	simm.s32 $0x4000;
	v15 =	vpop (erf)  }
0x1c9: {  	v13 =	vld.idx.msk [tilespmem:v13+s15+$0x0], $0xffff;
	v63, v19, _ =	vpop (xrf1);
	v11 =	vmul.f32 v15, v11  }
0x1ca: {  	[tilespmem:s21+$0xFFFFFFF8] =	vst.msk $0xff, v7;
	v7 =	vmov v10;
	v21 =	vperm.xlane v16, v4;
	v10, _, _ =	vpop (xrf2)  }
0x1cb: {  	s13 =	sadd.s32 $0x80, s11;
	_, v15, _ =	vpop (xrf1);
	[tilespmem:s22+$0xFFFFFFF8] =	vst.msk $0xff, v11;
	v11 =	vperm.xlane v17, v4;
	v23 =	vbroadcast v10, $0xF  }
0x1cc: {  	vm1 =	vge.f32 v62, v21;
	(xrf1) =	vsort.dscd.msk.f32 $0xffff, v14, v0;
	v22 =	vadd.s32 s13, v15;
	v20 =	vld [tilespmem:s24+$0x30]  }
0x1cd: {  	v14 =	vsel vm1, v62, v21;
	v27, v28, _ =	vpop (xrf1);
	v29 =	vld [tilespmem:s24+$0x10];
	v24 =	vsel vm1, v18, v11;
	(erf) = vrcp.f32 v23  }
0x1ce: {  	v30 =	vnsel vm0, $0xFF7FC99E, v13;
	v10 =	vpop (erf);
	(xrf1) =	vsort.dscd.msk.f32 $0xffff, v14, v24;
	v14 =	vld [tilespmem:s24+$0x20]  }
0x1cf: {  	(xrf0) =	vmax.scan.msk.f32 $0xffff, v30;
	v10 =	vnsel vm0, $0x0, v10;
	v11 =	vpop (erf)  }
0x1d0: {  	v25 =	vperm.xlane v27, v4;
	v31 =	vld [tilespmem:s24+$0x0];
	(xrf2) =	vadd.scan.msk.f32 $0xffff, v10;
	[tilespmem:s18+$0x0] =	vst.msk $0xff, v8;
	v26 =	vmul.f32 v11, v12  }
0x1d1: {  	v19 =	vperm.xlane v19, v4;
	s13 =	sadd.s32 $0xC0, s6;
	v32 =	vperm.xlane v28, v4;
	v34, v33, _ =	vpop (xrf1);
	v35 =	vld.idx.msk [tilespmem:v22+s15+$0x0], $0xffff;
	(xrf1) =	vsort.dscd.msk.f32 $0xffff, v20, v3  }
0x1d2: {  	s14 =	sor.u32 $0x70, s13;
	vm1 =	vge.f32 v34, v25;
	v12 =	vperm.xlane v63, v4;
	(xrf1) =	vsort.dscd.msk.f32 $0xffff, v29, v1;
	[tilespmem:s26+$0x0] =	vst.msk $0xff, v26  }
0x1d3: {  	v8 =	vmov v15;
	v36, v37, _ =	vpop (xrf1);
	v18 =	vsel vm1, v34, v25;
	v15 =	vsel vm1, v33, v32;
	(xrf1) =	vsort.dscd.msk.f32 $0xffff, v14, v2;
	v14 =	vld [tilespmem:s14+$0x0]  }
0x1d4: {  	_, v11, _ =	vpop (xrf1);
	vm1 =	vge.f32 v36, v12;
	s14 =	sor.u32 $0x50, s13;
	(xrf1) =	vsort.dscd.msk.f32 $0xffff, v18, v15  }
0x1d5: {  	v38, _, _ =	vpop (xrf0);
	v40 =	vadd.s32 s2, v11;
	v12 =	vsel vm1, v36, v12;
	v15 =	vsel vm1, v37, v19;
	v39 =	vld [tilespmem:s14+$0x0];
	s14 =	sor.u32 $0x60, s13;
	(xrf1) =	vsort.dscd.msk.f32 $0xffff, v31, v0  }
0x1d6: {  	v44 =	vnsel vm0, $0xFF7FC99E, v35;
	(xrf1) =	vsort.dscd.msk.f32 $0xffff, v12, v15;
	v12 =	vbroadcast v38, $0xF;
	v15 =	vld [tilespmem:s14+$0x0];
	v41 =	vpop (erf)  }
0x1d7: {  	v42 =	vld [tilespmem:s8+$0xFFFFFF90];
	s14 =	rddreg [dreg:$0x3];
	(xrf0) =	vmax.scan.msk.f32 $0xffff, v44;
	v43 =	vmul.f32 v41, v6  }
0x1d8: {  	s2 =	smov.u32 s13;
	v45 =	vld [tilespmem:s10+$0x40];
	s13 =	rddreg [dreg:$0x4];
	[tilespmem:s14+$0x8] =	vst.msk $0xff, v5;
	v12 =	vsub.f32 v13, v12;
	(xrf1) =	vsort.dscd.msk.f32 $0xffff, v14, v3  }
0x1d9: {  	v5 =	vmov v11;
	v11 =	vld [tilespmem:s8+$0xFFFFFFA0];
	[tilespmem:s13+$0x8] =	vst.msk $0xff, v43  }
0x1da: {  	v13, v6, _ =	vpop (xrf1);
	(xrf1) =	vsort.dscd.msk.f32 $0xffff, v39, v1;
	v12 =	vmul.f32 $1.442695020e+00, v12;
	v14 =	vld.idx.msk [tilespmem:v40+s15+$0x0], $0xffff  }
0x1db: {  	v46 =	vld [tilespmem:s8+$0xFFFFFFB0];
	(xrf1) =	vsort.dscd.msk.f32 $0xffff, v15, v2  }
0x1dc: {  	v47, _, _ =	vpop (xrf2);
	(erf) = vpow2.f32 v12  }
0x1dd: {  	_, v15, _ =	vpop (xrf1);
	(xrf1) =	vsort.dscd.msk.f32 $0xffff, v45, v0  }
0x1de: {  	v49, _, _ =	vpop (xrf0);
	(xrf1) =	vsort.dscd.msk.f32 $0xffff, v42, v1  }
0x1df: {  	v12, v48, _ =	vpop (xrf1);
	(xrf1) =	vsort.dscd.msk.f32 $0xffff, v11, v2;
	v11 =	vbroadcast v47, $0xF  }
0x1e0: {  	v18 =	vbroadcast v49, $0xF;
	(xrf1) =	vsort.dscd.msk.f32 $0xffff, v46, v3;
	v12 =	vperm.xlane v12, v4;
	v51, v50, _ =	vpop (xrf1);
	v52 =	vnsel vm0, $0xFF7FC99E, v14  }
0x1e1: {  	(erf) = vrcp.f32 v11;
	v11 =	vperm.xlane v48, v4;
	v55, v54, _ =	vpop (xrf1);
	(xrf0) =	vmax.scan.msk.f32 $0xffff, v52  }
0x1e2: {  	v18 =	vsub.f32 v35, v18;
	v58 =	vperm.xlane v51, v4;
	v57, v56, _ =	vpop (xrf1);
	vm1 =	vge.f32 v55, v12  }
0x1e3: {  	s6 =	smov.u32 s11;
	s11 =	smov.u32 s0;
	s0 =	smov.u32 s1;
	v19 =	vperm.xlane v50, v4;
	v12 =	vsel vm1, v55, v12;
	v11 =	vsel vm1, v54, v11;
	v60, v59, _ =	vpop (xrf1)  }
0x1e4: {  	s1 =	smov.u32 s5;
	s5 =	smov.u32 s7;
	s7 =	sadd.s32 $0x100, s7;
	v20 =	vperm.xlane v57, v4;
	v62, v61, _ =	vpop (xrf1);
	vm1 =	vge.f32 v60, v58;
	(xrf1) =	vsort.dscd.msk.f32 $0xffff, v12, v11;
	v11 =	vmul.f32 $1.442695020e+00, v18  }
0x1e5: {  	v53 =	vadd.s32 s7, v15;
	v12 =	vperm.xlane v56, v4;
	v63 =	vpop (erf);
	v17 =	vsel vm1, v60, v58  }
0x1e6: {  	v21 =	vsel vm1, v59, v19;
	vm1 =	vge.f32 v62, v20;
	(erf) = vpow2.f32 v11;
	v29, v28, _ =	vpop (xrf1)  }
0x1e7: {  	(xrf1) =	vsort.dscd.msk.f32 $0xffff, v17, v21;
	v11 =	vsel vm1, v62, v20;
	v12 =	vsel vm1, v61, v12;
	v30, _, _ =	vpop (xrf0)  }
0x1e8: {  	(xrf1) =	vsort.dscd.msk.f32 $0xffff, v11, v12;
	v12 =	vperm.xlane v29, v4;
	v33, v32, _ =	vpop (xrf1)  }
0x1e9: {  	s10 =	rddreg [dreg:$0x5];
	v11 =	vnsel vm0, $0x0, v63;
	v27 =	vperm.xlane v28, v4;
	v34, v35, _ =	vpop (xrf1)  }
0x1ea: {  	s14 =	smov.u32 s10;
	v31 =	vld.idx.msk [tilespmem:v53+s15+$0x0], $0xffff;
	v19 =	vbroadcast v30, $0xF;
	v16 =	vperm.xlane v33, v4;
	v36 =	vpop (erf);
	vm1 =	vge.f32 v34, v12  }
0x1eb: {  	[dreg:$0x3] =	wrdreg s14;
	(xrf2) =	vadd.scan.msk.f32 $0xffff, v11;
	v18 =	vperm.xlane v32, v4;
	v39, v40, _ =	vpop (xrf1);
	v12 =	vsel vm1, v34, v12;
	v38 =	vsel vm1, v35, v27  }
0x1ec: {  	s14 =	smov.u32 s18;
	s18 =	smov.u32 s23;
	s23 =	smov.u32 s21;
	v37 =	vsub.f32 v14, v19;
	v42, v41, _ =	vpop (xrf1);
	vm1 =	vge.f32 v39, v16;
	(xrf1) =	vsort.dscd.msk.f32 $0xffff, v12, v38  }
0x1ed: {  	s21 =	smov.u32 s28;
	s28 =	smov.u32 s3;
	s3 =	sadd.s32 $0x20, s3;
	v16 =	vsel vm1, v39, v16;
	v18 =	vsel vm1, v40, v18;
	v14, v43, _ =	vpop (xrf1)  }
0x1ee: {  	[dreg:$0x5] =	wrdreg s14;
	s14 =	smov.u32 s16;
	s16 =	smov.u32 s26;
	v12 =	vmul.f32 $1.442695020e+00, v37;
	v44, v45, _ =	vpop (xrf1);
	(xrf1) =	vsort.dscd.msk.f32 $0xffff, v16, v18  }
0x1ef: {  	s26 =	smov.u32 s19;
	s19 =	smov.u32 s22;
	s22 =	smov.u32 s30;
	[tilespmem:s3+$0xFFFFFFF0] =	vst.msk $0xff, v9;
	v46 =	vnsel vm0, $0xFF7FC99E, v31;
	v10 =	vmul.f32 v36, v10;
	v47 =	vperm.xlane v42, v4;
	v9 =	vpop (erf)  }
0x1f0: {  	s30 =	smov.u32 s4;
	s4 =	sadd.s32 $0x20, s4;
	s13 =	sadd.s32 $0x40, s5;
	(xrf0) =	vmax.scan.msk.f32 $0xffff, v46;
	(erf) = vpow2.f32 v12;
	v48 =	vperm.xlane v44, v4;
	v12 =	vnsel vm0, $0x0, v9  }
0x1f1: {  	s15 =	sor.u32 $0x50, s13;
	[tilespmem:s4+$0xFFFFFFF0] =	vst.msk $0xff, v10;
	vm1 =	vge.f32 v13, v47;
	v49 =	vperm.xlane v45, v4;
	(xrf2) =	vadd.scan.msk.f32 $0xffff, v12  }
0x1f2: {  	v10 =	vperm.xlane v41, v4;
	v13 =	vsel vm1, v13, v47;
	v9 =	vmovc v15;
	v15 =	vld [tilespmem:s15+$0x0];
	vm2 =	vge.f32 v14, v48  }
0x1f3: {  	s15 =	sor.u32 $0x70, s13;
	v14 =	vsel vm2, v14, v48;
	v50 =	vsel vm2, v43, v49;
	v52, v51, _ =	vpop (xrf1)  }
0x1f4: {  	v6 =	vsel vm1, v6, v10;
	(xrf1) =	vsort.dscd.msk.f32 $0xffff, v14, v50;
	v14 =	vld [tilespmem:s15+$0x0];
	v53 =	vperm.xlane v52, v4  }
0x1f5: {  	v54 =	vperm.xlane v51, v4;
	(xrf1) =	vsort.dscd.msk.f32 $0xffff, v13, v6;
	v13, v55, _ =	vpop (xrf1)  }
0x1f6: {  	v10, _, _ =	vpop (xrf2);
	s15 =	sor.u32 $0x60, s13;
	vm1 =	vge.f32 v13, v53  }
0x1f7: {  	s10 =	smov.u32 s20;
	s20 =	smov.u32 s24;
	v56, _, _ =	vpop (xrf0);
	(xrf1) =	vsort.dscd.msk.f32 $0xffff, v15, v1;
	v15 =	vld [tilespmem:s15+$0x0];
	v13 =	vsel vm1, v13, v53;
	v58 =	vsel vm1, v55, v54  }
0x1f8: {  	s24 =	smov.u32 s17;
	s17 =	smov.u32 s25;
	s25 =	smov.u32 s29;
	v57 =	vbroadcast v10, $0xF;
	_, v10, _ =	vpop (xrf1);
	(xrf1) =	vsort.dscd.msk.f32 $0xffff, v13, v58;
	v13 =	vbroadcast v56, $0xF  }
0x1f9: {  	s12 =	sadd.s32 $0x4, s12;
	v6 =	vpop (erf);
	(xrf1) =	vsort.dscd.msk.f32 $0xffff, v14, v3;
	v14 =	vld [tilespmem:s25+$0xFFFFFFC0]  }
0x1fa: {  	p0 =	slt.u32 s12, $0xFC;
	v13 =	vsub.f32 v31, v13;
	v59, v17, _ =	vpop (xrf1)  }
.Ltmp0:
0x1fb: {  	v60, _, _ =	vpop (xrf2);
	v16 =	vperm.xlane v59, v4;
	(pc) =	sbr.rel @p0 .LBB2_2-.Ltmp0, $4  }
0x1fc: {  	v6 =	vnsel vm0, $0x0, v6;
	(xrf1) =	vsort.dscd.msk.f32 $0xffff, v15, v2;
	v61 =	vmul.f32 $1.442695020e+00, v13;
	v15 =	vperm.xlane v17, v4;
	v63, v62, _ =	vpop (xrf1)  }
0x1fd: {  	(erf) = vrcp.f32 v57;
	(xrf2) =	vadd.scan.msk.f32 $0xffff, v6;
	v18 =	vbroadcast v60, $0xF;
	vm1 =	vge.f32 v63, v16  }
0x1fe: {  	s29 =	smov.u32 s31;
	s31 =	smov.u32 s8;
	(erf) = vpow2.f32 v61;
	(xrf1) =	vsort.dscd.msk.f32 $0xffff, v14, v0;
	v14 =	vsel vm1, v63, v16;
	v15 =	vsel vm1, v62, v15  }
0x1ff: {  	[dreg:$0x4] =	wrdreg s14;
	s8 =	sadd.s32 $0x100, s8;
	v13 =	vadd.s32 s9, v10;
	s9 =	smov.u32 s13;
	(erf) = vrcp.f32 v18;
	(xrf1) =	vsort.dscd.msk.f32 $0xffff, v14, v15  }
0x200: {  	_ =	sdelay $0x5  }
0x201: {  	v14 =	vpop (erf)  }
0x202: {  	v11 =	vmul.f32 v14, v11  }
0x203: {  	s14 =	simm.s32 $0x4000  }
0x204: {  	[tilespmem:s21+$0xFFFFFFF8] =	vst.msk $0xff, v7;
	v13 =	vld.idx.msk [tilespmem:v13+s14+$0x0], $0xffff;
	v15, v16, _ =	vpop (xrf1)  }
0x205: {  	v7 =	vperm.xlane v15, v4;
	v35, v14, _ =	vpop (xrf1);
	[tilespmem:s22+$0xFFFFFFF8] =	vst.msk $0xff, v11  }
0x206: {  	v36 =	vperm.xlane v16, v4;
	v17, v18, _ =	vpop (xrf1);
	v37 =	vld [tilespmem:s24+$0x30]  }
0x207: {  	vm1 =	vge.f32 v35, v7;
	_, v11, _ =	vpop (xrf1)  }
0x208: {  	v7 =	vsel vm1, v35, v7;
	v14 =	vsel vm1, v14, v36;
	v38 =	vld [tilespmem:s24+$0x10]  }
0x209: {  	s8 =	sadd.s32 $0x80, s11;
	(xrf1) =	vsort.dscd.msk.f32 $0xffff, v7, v14;
	v7 =	vnsel vm0, $0xFF7FC99E, v13;
	v39 =	vld [tilespmem:s24+$0x20]  }
0x20a: {  	v19 =	vadd.s32 s8, v11;
	v22 =	vpop (erf);
	(xrf0) =	vmax.scan.msk.f32 $0xffff, v7  }
0x20b: {  	v20, v21, _ =	vpop (xrf1);
	v22 =	vnsel vm0, $0x0, v22;
	(xrf1) =	vsort.dscd.msk.f32 $0xffff, v37, v3  }
0x20c: {  	v47 =	vperm.xlane v17, v4;
	v23 =	vld [tilespmem:s24+$0x0];
	v20 =	vperm.xlane v20, v4;
	(xrf2) =	vadd.scan.msk.f32 $0xffff, v22;
	v7 =	vpop (erf)  }
0x20d: {  	v40 =	vperm.xlane v21, v4;
	v41, v24, _ =	vpop (xrf1);
	v7 =	vmul.f32 v7, v12;
	(xrf1) =	vsort.dscd.msk.f32 $0xffff, v38, v1  }
0x20e: {  	s12 =	sadd.s32 $0xC0, s6;
	v18 =	vperm.xlane v18, v4;
	[tilespmem:s18+$0x0] =	vst.msk $0xff, v8;
	vm1 =	vge.f32 v41, v20;
	(xrf1) =	vsort.dscd.msk.f32 $0xffff, v39, v2  }
0x20f: {  	s6 =	sor.u32 $0x70, s12;
	v44, v45, _ =	vpop (xrf1);
	v43 =	vsel vm1, v41, v20;
	v16 =	vsel vm1, v24, v40;
	v42 =	vld.idx.msk [tilespmem:v19+s14+$0x0], $0xffff;
	[tilespmem:s26+$0x0] =	vst.msk $0xff, v7  }
0x210: {  	vm1 =	vge.f32 v44, v47;
	(xrf1) =	vsort.dscd.msk.f32 $0xffff, v43, v16;
	v46 =	vld [tilespmem:s6+$0x0]  }
0x211: {  	s8 =	sor.u32 $0x50, s12;
	v8 =	vsel vm1, v44, v47;
	v12 =	vsel vm1, v45, v18;
	v49, _, _ =	vpop (xrf0);
	(xrf1) =	vsort.dscd.msk.f32 $0xffff, v23, v0  }
0x212: {  	v50 =	vld [tilespmem:s8+$0x0];
	_, v7, _ =	vpop (xrf1);
	(xrf1) =	vsort.dscd.msk.f32 $0xffff, v8, v12  }
0x213: {  	s13 =	sor.u32 $0x60, s12;
	v19 =	vbroadcast v49, $0xF;
	v48 =	vadd.s32 s2, v7  }
0x214: {  	v52 =	vld [tilespmem:s13+$0x0]  }
0x215: {  	v53, _, _ =	vpop (xrf2);
	v51 =	vnsel vm0, $0xFF7FC99E, v42;
	v54 =	vsub.f32 v13, v19;
	(xrf1) =	vsort.dscd.msk.f32 $0xffff, v46, v3  }
0x216: {  	v55 =	vbroadcast v53, $0xF;
	v56 =	vld [tilespmem:s10+$0x40];
	(xrf0) =	vmax.scan.msk.f32 $0xffff, v51  }
0x217: {  	v8 =	vmul.f32 $1.442695020e+00, v54;
	(xrf1) =	vsort.dscd.msk.f32 $0xffff, v50, v1  }
0x218: {  	(erf) = vrcp.f32 v55;
	v57, _, _ =	vpop (xrf2);
	v58 =	vld.idx.msk [tilespmem:v48+s14+$0x0], $0xffff  }
0x219: {  	_, v12, _ =	vpop (xrf1);
	(xrf1) =	vsort.dscd.msk.f32 $0xffff, v52, v2;
	(erf) = vpow2.f32 v8  }
0x21a: {  	v14 =	vbroadcast v57, $0xF;
	v60, v59, _ =	vpop (xrf1)  }
0x21b: {  	(xrf1) =	vsort.dscd.msk.f32 $0xffff, v56, v0;
	v8 =	vperm.xlane v60, v4;
	v62, v63, _ =	vpop (xrf1)  }
0x21c: {  	(erf) = vrcp.f32 v14;
	v30, v29, _ =	vpop (xrf1)  }
0x21d: {  	v61, _, _ =	vpop (xrf0);
	v17 =	vperm.xlane v59, v4;
	v31 =	vnsel vm0, $0xFF7FC99E, v58;
	vm1 =	vge.f32 v30, v8  }
0x21e: {  	v28 =	vbroadcast v61, $0xF;
	v19 =	vperm.xlane v62, v4;
	v32, v25, _ =	vpop (xrf1);
	(xrf0) =	vmax.scan.msk.f32 $0xffff, v31;
	v8 =	vsel vm1, v30, v8  }
0x21f: {  	s2 =	sadd.s32 $0x100, s7;
	v20 =	vperm.xlane v63, v4;
	v17 =	vsel vm1, v29, v17;
	v33, v34, _ =	vpop (xrf1)  }
0x220: {  	v37 =	vadd.s32 s2, v12;
	v13 =	vsub.f32 v42, v28;
	vm1 =	vge.f32 v33, v19;
	(xrf1) =	vsort.dscd.msk.f32 $0xffff, v8, v17;
	v40, v39, _ =	vpop (xrf1)  }
0x221: {  	v35 =	vsel vm1, v33, v19;
	v36 =	vsel vm1, v34, v20;
	v8 =	vpop (erf)  }
0x222: {  	v13 =	vmul.f32 $1.442695020e+00, v13;
	(xrf1) =	vsort.dscd.msk.f32 $0xffff, v35, v36;
	v38 =	vpop (erf)  }
0x223: {  	v42 =	vperm.xlane v32, v4;
	v43, v44, _ =	vpop (xrf1)  }
0x224: {  	v45 =	vperm.xlane v25, v4;
	(erf) = vpow2.f32 v13;
	v41 =	vnsel vm0, $0x0, v38;
	v23, _, _ =	vpop (xrf0)  }
0x225: {  	v17 =	vld.idx.msk [tilespmem:v37+s14+$0x0], $0xffff;
	vm1 =	vge.f32 v40, v42;
	v46, v47, _ =	vpop (xrf1);
	(xrf2) =	vadd.scan.msk.f32 $0xffff, v41  }
0x226: {  	v14 =	vsel vm1, v40, v42;
	v48 =	vsel vm1, v39, v45;
	v19 =	vperm.xlane v43, v4;
	v53 =	vpop (erf)  }
0x227: {  	v49 =	vperm.xlane v44, v4;
	(xrf1) =	vsort.dscd.msk.f32 $0xffff, v14, v48;
	v51, v50, _ =	vpop (xrf1);
	v52 =	vbroadcast v23, $0xF  }
0x228: {  	s6 =	sadd.s32 $0x20, s3;
	v54 =	vperm.xlane v46, v4;
	v15 =	vmul.f32 v53, v22;
	vm1 =	vge.f32 v51, v19  }
0x229: {  	[tilespmem:s6+$0xFFFFFFF0] =	vst.msk $0xff, v9;
	v55 =	vperm.xlane v47, v4;
	v19 =	vsel vm1, v51, v19;
	v18 =	vsel vm1, v50, v49;
	v56, v57, _ =	vpop (xrf1)  }
0x22a: {  	s8 =	sadd.s32 $0x40, s7;
	s10 =	sadd.s32 $0x20, s4;
	v14 =	vsub.f32 v58, v52;
	v58 =	vnsel vm0, $0xFF7FC99E, v17;
	(xrf1) =	vsort.dscd.msk.f32 $0xffff, v19, v18;
	vm1 =	vge.f32 v56, v54  }
0x22b: {  	s13 =	sor.u32 $0x50, s8;
	[tilespmem:s10+$0xFFFFFFF0] =	vst.msk $0xff, v15;
	(xrf0) =	vmax.scan.msk.f32 $0xffff, v58;
	v59 =	vsel vm1, v56, v54;
	v16 =	vsel vm1, v57, v55  }
0x22c: {  	v15 =	vld [tilespmem:s13+$0x0];
	(xrf1) =	vsort.dscd.msk.f32 $0xffff, v59, v16  }
0x22d: {  	v14 =	vmul.f32 $1.442695020e+00, v14;
	v60 =	vpop (erf)  }
0x22e: {  	v16, v18, _ =	vpop (xrf1)  }
0x22f: {  	s15 =	smov.u32 s18;
	s18 =	smov.u32 s26;
	s26 =	sor.u32 $0x70, s8;
	(erf) = vpow2.f32 v14;
	v63, _, _ =	vpop (xrf2);
	v24 =	vperm.xlane v16, v4  }
0x230: {  	v61 =	vld [tilespmem:s26+$0x0];
	v25 =	vperm.xlane v18, v4;
	v27, v26, _ =	vpop (xrf1);
	v9 =	vbroadcast v63, $0xF  }
0x231: {  	s26 =	sor.u32 $0x60, s8;
	v62 =	vnsel vm0, $0x0, v60;
	(xrf1) =	vsort.dscd.msk.f32 $0xffff, v15, v1;
	vm1 =	vge.f32 v27, v24  }
0x232: {  	v28 =	vld [tilespmem:s26+$0x0];
	v30, _, _ =	vpop (xrf0);
	(xrf2) =	vadd.scan.msk.f32 $0xffff, v62;
	v14 =	vsel vm1, v27, v24;
	v29 =	vsel vm1, v26, v25;
	(erf) = vrcp.f32 v9  }
0x233: {  	v9 =	vbroadcast v30, $0xF;
	(xrf1) =	vsort.dscd.msk.f32 $0xffff, v14, v29;
	_ =	sdelay $0x1  }
0x234: {  	(xrf1) =	vsort.dscd.msk.f32 $0xffff, v61, v3;
	v9 =	vsub.f32 v17, v9;
	_ =	sdelay $0x1  }
0x235: {  	_, v14, _ =	vpop (xrf1);
	(xrf1) =	vsort.dscd.msk.f32 $0xffff, v28, v2;
	v9 =	vmul.f32 $1.442695020e+00, v9  }
0x236: {  	v33 =	vld [tilespmem:s29+$0xFFFFFFC0];
	v32 =	vpop (erf);
	v31 =	vadd.s32 s9, v14  }
0x237: {  	v34, v35, _ =	vpop (xrf1);
	(erf) = vpow2.f32 v9  }
0x238: {  	v40, v39, _ =	vpop (xrf1)  }
0x239: {  	v37 =	vperm.xlane v34, v4;
	v38 =	vpop (erf)  }
0x23a: {  	v19 =	vperm.xlane v35, v4;
	v36, _, _ =	vpop (xrf2);
	v13 =	vmul.f32 v38, v41  }
0x23b: {  	[tilespmem:s28+$0xFFFFFFF8] =	vst.msk $0xff, v10;
	(xrf1) =	vsort.dscd.msk.f32 $0xffff, v33, v0;
	vm1 =	vge.f32 v40, v37;
	v41 =	vbroadcast v36, $0xF;
	v15 =	vld.idx.msk [tilespmem:v31+s14+$0x0], $0xffff  }
0x23c: {  	v9 =	vsel vm1, v40, v37;
	v42 =	vsel vm1, v39, v19;
	[tilespmem:s30+$0xFFFFFFF8] =	vst.msk $0xff, v13  }
0x23d: {  	(xrf1) =	vsort.dscd.msk.f32 $0xffff, v9, v42;
	(erf) = vrcp.f32 v41;
	v43 =	vld [tilespmem:s17+$0x30]  }
0x23e: {  	v44, v45, _ =	vpop (xrf1)  }
0x23f: {  	s13 =	sadd.s32 $0x80, s0;
	v9 =	vnsel vm0, $0x0, v32;
	v46 =	vld [tilespmem:s17+$0x10];
	_, v13, _ =	vpop (xrf1)  }
0x240: {  	(xrf2) =	vadd.scan.msk.f32 $0xffff, v9;
	v51 =	vld [tilespmem:s17+$0x20];
	v50 =	vnsel vm0, $0xFF7FC99E, v15;
	v52 =	vpop (erf);
	v47 =	vadd.s32 s13, v13  }
0x241: {  	v48, v49, _ =	vpop (xrf1);
	(xrf0) =	vmax.scan.msk.f32 $0xffff, v50  }
0x242: {  	v53 =	vld [tilespmem:s17+$0x0];
	v23 =	vnsel vm0, $0x0, v52;
	v21 =	vperm.xlane v48, v4;
	(xrf1) =	vsort.dscd.msk.f32 $0xffff, v43, v3  }
0x243: {  	(xrf2) =	vadd.scan.msk.f32 $0xffff, v23;
	v54 =	vperm.xlane v49, v4;
	v55, v26, _ =	vpop (xrf1)  }
0x244: {  	vm1 =	vge.f32 v55, v21;
	(xrf1) =	vsort.dscd.msk.f32 $0xffff, v46, v1  }
0x245: {  	v57 =	vsel vm1, v55, v21;
	v10 =	vsel vm1, v26, v54;
	(xrf1) =	vsort.dscd.msk.f32 $0xffff, v51, v2;
	v56 =	vld.idx.msk [tilespmem:v47+s14+$0x0], $0xffff  }
0x246: {  	v58 =	vpop (erf);
	(xrf1) =	vsort.dscd.msk.f32 $0xffff, v57, v10  }
0x247: {  	v17 =	vperm.xlane v44, v4;
	(xrf1) =	vsort.dscd.msk.f32 $0xffff, v53, v0;
	v60, _, _ =	vpop (xrf0)  }
0x248: {  	v59 =	vmul.f32 v58, v62;
	v63 =	vbroadcast v60, $0xF  }
0x249: {  	[tilespmem:s23+$0x0] =	vst.msk $0xff, v11;
	s9 =	sadd.s32 $0xC0, s11;
	v18 =	vperm.xlane v45, v4;
	v61, v62, _ =	vpop (xrf1)  }
0x24a: {  	s11 =	sor.u32 $0x70, s9;
	v30, _, _ =	vpop (xrf2);
	vm1 =	vge.f32 v61, v17;
	[tilespmem:s19+$0x0] =	vst.msk $0xff, v59;
	v15 =	vsub.f32 v15, v63;
	v27 =	vnsel vm0, $0xFF7FC99E, v56  }
0x24b: {  	s26 =	smov.u32 s30;
	s30 =	sor.u32 $0x50, s9;
	v25 =	vbroadcast v30, $0xF;
	_, v10, _ =	vpop (xrf1);
	v17 =	vsel vm1, v61, v17;
	v11 =	vld [tilespmem:s11+$0x0];
	(xrf0) =	vmax.scan.msk.f32 $0xffff, v27  }
0x24c: {  	s13 =	sor.u32 $0x60, s9;
	v18 =	vsel vm1, v62, v18;
	v28 =	vld [tilespmem:s30+$0x0];
	v29 =	vadd.s32 s12, v10;
	v15 =	vmul.f32 $1.442695020e+00, v15  }
0x24d: {  	(erf) = vrcp.f32 v25;
	v31 =	vld [tilespmem:s13+$0x0];
	(xrf1) =	vsort.dscd.msk.f32 $0xffff, v17, v18  }
0x24e: {  	v32 =	vld [tilespmem:s20+$0x40];
	(erf) = vpow2.f32 v15  }
0x24f: {  	v33, _, _ =	vpop (xrf2)  }
0x250: {  	(xrf1) =	vsort.dscd.msk.f32 $0xffff, v11, v3;
	v11 =	vbroadcast v33, $0xF;
	v35, v34, _ =	vpop (xrf1)  }
0x251: {  	v36 =	vld.idx.msk [tilespmem:v29+s14+$0x0], $0xffff;
	(xrf1) =	vsort.dscd.msk.f32 $0xffff, v28, v1;
	v37, _, _ =	vpop (xrf0)  }
0x252: {  	(xrf1) =	vsort.dscd.msk.f32 $0xffff, v31, v2;
	(erf) = vrcp.f32 v11;
	v15 =	vperm.xlane v35, v4;
	v39, v38, _ =	vpop (xrf1)  }
0x253: {  	(xrf1) =	vsort.dscd.msk.f32 $0xffff, v32, v0;
	v17 =	vperm.xlane v34, v4;
	v20 =	vbroadcast v37, $0xF;
	v41, v40, _ =	vpop (xrf1)  }
0x254: {  	v21 =	vperm.xlane v39, v4;
	v44 =	vperm.xlane v38, v4;
	v43, v42, _ =	vpop (xrf1);
	vm1 =	vge.f32 v41, v15  }
0x255: {  	v16 =	vsub.f32 v56, v20;
	v15 =	vsel vm1, v41, v15;
	v17 =	vsel vm1, v40, v17;
	v46, v45, _ =	vpop (xrf1)  }
0x256: {  	v11 =	vpop (erf);
	v47 =	vnsel vm0, $0xFF7FC99E, v36;
	vm1 =	vge.f32 v46, v21;
	(xrf1) =	vsort.dscd.msk.f32 $0xffff, v15, v17  }
0x257: {  	(xrf0) =	vmax.scan.msk.f32 $0xffff, v47;
	v48 =	vmul.f32 $1.442695020e+00, v16;
	v49 =	vsel vm1, v46, v21;
	v50 =	vsel vm1, v45, v44;
	v51 =	vpop (erf)  }
0x258: {  	(xrf1) =	vsort.dscd.msk.f32 $0xffff, v49, v50;
	v52 =	vnsel vm0, $0x0, v51  }
0x259: {  	(erf) = vpow2.f32 v48;
	(xrf2) =	vadd.scan.msk.f32 $0xffff, v52;
	_ =	sdelay $0x1  }
0x25a: {  	v53 =	vperm.xlane v43, v4;
	v55, v54, _ =	vpop (xrf1)  }
0x25b: {  	v56 =	vperm.xlane v42, v4;
	v61 =	vpop (erf)  }
0x25c: {  	vm1 =	vge.f32 v55, v53;
	v60, _, _ =	vpop (xrf0)  }
0x25d: {  	v16 =	vsel vm1, v55, v53;
	v59 =	vsel vm1, v54, v56;
	v57, v58, _ =	vpop (xrf1)  }
0x25e: {  	v19 =	vbroadcast v60, $0xF;
	(xrf1) =	vsort.dscd.msk.f32 $0xffff, v16, v59;
	v62 =	vperm.xlane v57, v4;
	v63, v28, _ =	vpop (xrf1)  }
0x25f: {  	s11 =	sadd.s32 $0x20, s6;
	v16 =	vmul.f32 v61, v23;
	v31 =	vperm.xlane v58, v4;
	v30, v29, _ =	vpop (xrf1)  }
0x260: {  	s12 =	sadd.s32 $0x40, s2;
	s30 =	sadd.s32 $0x20, s10;
	[tilespmem:s11+$0xFFFFFFF0] =	vst.msk $0xff, v12;
	v18 =	vsub.f32 v36, v19;
	v20 =	vperm.xlane v63, v4;
	vm1 =	vge.f32 v30, v62;
	v35, v34, _ =	vpop (xrf1)  }
0x261: {  	s20 =	sor.u32 $0x50, s12;
	[tilespmem:s30+$0xFFFFFFF0] =	vst.msk $0xff, v16;
	v33 =	vperm.xlane v28, v4;
	v17 =	vsel vm1, v30, v62;
	v12 =	vsel vm1, v29, v31;
	v32 =	vpop (erf)  }
0x262: {  	v16 =	vld [tilespmem:s20+$0x0];
	vm1 =	vge.f32 v35, v20;
	(xrf1) =	vsort.dscd.msk.f32 $0xffff, v17, v12;
	v22 =	vnsel vm0, $0x0, v32;
	v38, _, _ =	vpop (xrf2)  }
0x263: {  	v18 =	vmul.f32 $1.442695020e+00, v18;
	v20 =	vsel vm1, v35, v20;
	v40 =	vsel vm1, v34, v33;
	(xrf2) =	vadd.scan.msk.f32 $0xffff, v22;
	v36, v37, _ =	vpop (xrf1)  }
0x264: {  	s20 =	sor.u32 $0x70, s12;
	(xrf1) =	vsort.dscd.msk.f32 $0xffff, v20, v40;
	v21 =	vbroadcast v38, $0xF;
	v23 =	vperm.xlane v36, v4  }
0x265: {  	v39 =	vld [tilespmem:s20+$0x0];
	(erf) = vpow2.f32 v18;
	v41 =	vperm.xlane v37, v4;
	v42, v43, _ =	vpop (xrf1)  }
0x266: {  	s20 =	sor.u32 $0x60, s12;
	(erf) = vrcp.f32 v21;
	vm1 =	vge.f32 v42, v23  }
0x267: {  	v44 =	vld [tilespmem:s20+$0x0];
	(xrf1) =	vsort.dscd.msk.f32 $0xffff, v16, v1;
	v45 =	vsel vm1, v42, v23;
	v17 =	vsel vm1, v43, v41  }
0x268: {  	(xrf1) =	vsort.dscd.msk.f32 $0xffff, v45, v17;
	_ =	sdelay $0x1  }
0x269: {  	(xrf1) =	vsort.dscd.msk.f32 $0xffff, v39, v3  }
0x26a: {  	v46 =	vld [tilespmem:s31+$0xFFFFFFC0]  }
0x26b: {  	_, v16, _ =	vpop (xrf1);
	(xrf1) =	vsort.dscd.msk.f32 $0xffff, v44, v2  }
0x26c: {  	v48 =	vadd.s32 s8, v16;
	v47, _, _ =	vpop (xrf2)  }
0x26d: {  	v49 =	vpop (erf);
	v12 =	vbroadcast v47, $0xF  }
0x26e: {  	v50 =	vpop (erf)  }
0x26f: {  	(xrf1) =	vsort.dscd.msk.f32 $0xffff, v46, v0;
	(erf) = vrcp.f32 v12;
	v12 =	vmul.f32 v50, v52;
	v52, v51, _ =	vpop (xrf1)  }
0x270: {  	[tilespmem:s3+$0xFFFFFFF8] =	vst.msk $0xff, v14;
	v14 =	vperm.xlane v52, v4  }
0x271: {  	v18 =	vld.idx.msk [tilespmem:v48+s14+$0x0], $0xffff;
	v20, v53, _ =	vpop (xrf1);
	v15 =	vperm.xlane v51, v4  }
0x272: {  	[tilespmem:s4+$0xFFFFFFF8] =	vst.msk $0xff, v12;
	vm1 =	vge.f32 v20, v14  }
0x273: {  	v54 =	vld [tilespmem:s25+$0x30];
	v15 =	vsel vm1, v53, v15  }
0x274: {  	v56, v55, _ =	vpop (xrf1);
	v12 =	vnsel vm0, $0x0, v49;
	v57 =	vld [tilespmem:s25+$0x10];
	v14 =	vsel vm1, v20, v14  }
0x275: {  	s20 =	sadd.s32 $0x80, s1;
	(xrf2) =	vadd.scan.msk.f32 $0xffff, v12;
	v59 =	vld [tilespmem:s25+$0x20];
	_, v17, _ =	vpop (xrf1)  }
0x276: {  	(xrf1) =	vsort.dscd.msk.f32 $0xffff, v14, v15;
	v60 =	vnsel vm0, $0xFF7FC99E, v18;
	v58 =	vadd.s32 s20, v17  }
0x277: {  	(xrf0) =	vmax.scan.msk.f32 $0xffff, v60;
	v14, v15, _ =	vpop (xrf1)  }
0x278: {  	v28 =	vld [tilespmem:s25+$0x0];
	(xrf1) =	vsort.dscd.msk.f32 $0xffff, v54, v3;
	v27 =	vpop (erf);
	v14 =	vperm.xlane v14, v4  }
0x279: {  	v15 =	vperm.xlane v15, v4;
	v62, v61, _ =	vpop (xrf1);
	(xrf1) =	vsort.dscd.msk.f32 $0xffff, v57, v1  }
0x27a: {  	v22 =	vmul.f32 v27, v22;
	(xrf1) =	vsort.dscd.msk.f32 $0xffff, v59, v2;
	vm1 =	vge.f32 v62, v14  }
0x27b: {  	s0 =	sadd.s32 $0xC0, s0;
	[tilespmem:s21+$0x0] =	vst.msk $0xff, v13;
	v63 =	vld.idx.msk [tilespmem:v58+s14+$0x0], $0xffff;
	v21 =	vsel vm1, v62, v14;
	v23 =	vsel vm1, v61, v15  }
0x27c: {  	s13 =	sor.u32 $0x70, s0;
	v26 =	vperm.xlane v56, v4;
	[tilespmem:s22+$0x0] =	vst.msk $0xff, v22;
	(xrf1) =	vsort.dscd.msk.f32 $0xffff, v21, v23  }
0x27d: {  	v29 =	vperm.xlane v55, v4;
	s20 =	sor.u32 $0x50, s0;
	v31, v30, _ =	vpop (xrf1);
	v27 =	vld [tilespmem:s13+$0x0];
	(xrf1) =	vsort.dscd.msk.f32 $0xffff, v28, v0  }
0x27e: {  	vm1 =	vge.f32 v31, v26;
	v22 =	vld [tilespmem:s20+$0x0];
	s13 =	sor.u32 $0x60, s0  }
0x27f: {  	v33, _, _ =	vpop (xrf0);
	v15 =	vsel vm1, v31, v26;
	v14 =	vsel vm1, v30, v29;
	v32 =	vld [tilespmem:s13+$0x0]  }
0x280: {  	v34 =	vbroadcast v33, $0xF;
	(xrf1) =	vsort.dscd.msk.f32 $0xffff, v15, v14;
	v35 =	vnsel vm0, $0xFF7FC99E, v63  }
0x281: {  	v36 =	vld [tilespmem:s24+$0x40];
	v37, _, _ =	vpop (xrf2);
	(xrf0) =	vmax.scan.msk.f32 $0xffff, v35  }
0x282: {  	v38 =	vbroadcast v37, $0xF;
	v14 =	vsub.f32 v18, v34;
	(xrf1) =	vsort.dscd.msk.f32 $0xffff, v27, v3  }
0x283: {  	(xrf1) =	vsort.dscd.msk.f32 $0xffff, v22, v1  }
0x284: {  	(erf) = vrcp.f32 v38;
	v14 =	vmul.f32 $1.442695020e+00, v14;
	(xrf1) =	vsort.dscd.msk.f32 $0xffff, v32, v2  }
0x285: {  	_, v13, _ =	vpop (xrf1)  }
0x286: {  	(erf) = vpow2.f32 v14;
	(xrf1) =	vsort.dscd.msk.f32 $0xffff, v36, v0;
	v40, v39, _ =	vpop (xrf1)  }
0x287: {  	v41 =	vadd.s32 s9, v13;
	v14 =	vperm.xlane v40, v4;
	v43, v44, _ =	vpop (xrf1)  }
0x288: {  	v46, v45, _ =	vpop (xrf1)  }
0x289: {  	v15 =	vperm.xlane v39, v4;
	v42, _, _ =	vpop (xrf0);
	vm1 =	vge.f32 v46, v14  }
0x28a: {  	v21 =	vperm.xlane v43, v4;
	v20 =	vbroadcast v42, $0xF;
	v14 =	vsel vm1, v46, v14;
	v48, v47, _ =	vpop (xrf1)  }
0x28b: {  	v22 =	vperm.xlane v44, v4;
	v15 =	vsel vm1, v45, v15;
	v49, v50, _ =	vpop (xrf1)  }
0x28c: {  	v18 =	vld.idx.msk [tilespmem:v41+s14+$0x0], $0xffff;
	v19 =	vsub.f32 v63, v20;
	(xrf1) =	vsort.dscd.msk.f32 $0xffff, v14, v15;
	vm1 =	vge.f32 v49, v21  }
0x28d: {  	v51 =	vperm.xlane v48, v4;
	v14 =	vpop (erf);
	v52 =	vsel vm1, v49, v21;
	v53 =	vsel vm1, v50, v22  }
0x28e: {  	v56 =	vperm.xlane v47, v4;
	v55, v54, _ =	vpop (xrf1);
	v19 =	vmul.f32 $1.442695020e+00, v19;
	(xrf1) =	vsort.dscd.msk.f32 $0xffff, v52, v53  }
0x28f: {  	v57 =	vpop (erf);
	vm1 =	vge.f32 v55, v51  }
0x290: {  	(erf) = vpow2.f32 v19;
	v15 =	vsel vm1, v55, v51;
	v60 =	vsel vm1, v54, v56;
	v59, v58, _ =	vpop (xrf1)  }
0x291: {  	v61 =	vnsel vm0, $0xFF7FC99E, v18;
	(xrf1) =	vsort.dscd.msk.f32 $0xffff, v15, v60;
	v62 =	vperm.xlane v59, v4;
	v28, v63, _ =	vpop (xrf1)  }
0x292: {  	(xrf0) =	vmax.scan.msk.f32 $0xffff, v61;
	v21 =	vperm.xlane v58, v4;
	v30, v29, _ =	vpop (xrf1)  }
0x293: {  	v20 =	vnsel vm0, $0x0, v57;
	v19 =	vperm.xlane v28, v4;
	vm1 =	vge.f32 v30, v62  }
0x294: {  	(xrf2) =	vadd.scan.msk.f32 $0xffff, v20;
	v22 =	vperm.xlane v63, v4;
	v31, v32, _ =	vpop (xrf1);
	v15 =	vsel vm1, v30, v62;
	v21 =	vsel vm1, v29, v21  }
0x295: {  	vm1 =	vge.f32 v31, v19;
	(xrf1) =	vsort.dscd.msk.f32 $0xffff, v15, v21  }
0x296: {  	v33 =	vsel vm1, v31, v19;
	v34 =	vsel vm1, v32, v22  }
0x297: {  	(xrf1) =	vsort.dscd.msk.f32 $0xffff, v33, v34  }
0x298: {  	v35, _, _ =	vpop (xrf0)  }
0x299: {  	v15 =	vbroadcast v35, $0xF;
	v36 =	vpop (erf)  }
0x29a: {  	v37, v38, _ =	vpop (xrf1)  }
0x29b: {  	v15 =	vsub.f32 v18, v15;
	v39 =	vnsel vm0, $0x0, v36;
	v40 =	vperm.xlane v37, v4  }
0x29c: {  	(xrf2) =	vadd.scan.msk.f32 $0xffff, v39;
	v41 =	vperm.xlane v38, v4;
	v42, v43, _ =	vpop (xrf1)  }
0x29d: {  	v15 =	vmul.f32 $1.442695020e+00, v15;
	vm1 =	vge.f32 v42, v40  }
0x29e: {  	v44, _, _ =	vpop (xrf2);
	v21 =	vsel vm1, v42, v40;
	v19 =	vsel vm1, v43, v41  }
0x29f: {  	(erf) = vpow2.f32 v15;
	_, v18, _ =	vpop (xrf1);
	(xrf1) =	vsort.dscd.msk.f32 $0xffff, v21, v19  }
0x2a0: {  	v46 =	vbroadcast v44, $0xF;
	v45 =	vadd.s32 s12, v18;
	_ =	sdelay $0x1  }
0x2a1: {  	(erf) = vrcp.f32 v46  }
0x2a2: {  	v48, v47, _ =	vpop (xrf1)  }
0x2a3: {  	v19 =	vperm.xlane v48, v4  }
0x2a4: {  	v21 =	vperm.xlane v47, v4;
	v49, v50, _ =	vpop (xrf1);
	v51 =	vld.idx.msk [tilespmem:v45+s14+$0x0], $0xffff  }
0x2a5: {  	v52, _, _ =	vpop (xrf2);
	vm1 =	vge.f32 v49, v19  }
0x2a6: {  	v53 =	vbroadcast v52, $0xF;
	v54 =	vsel vm1, v49, v19;
	v55 =	vsel vm1, v50, v21  }
0x2a7: {  	v56 =	vpop (erf);
	(xrf1) =	vsort.dscd.msk.f32 $0xffff, v54, v55  }
0x2a8: {  	v15 =	vnsel vm0, $0x0, v56;
	(erf) = vrcp.f32 v53  }
0x2a9: {  	(xrf2) =	vadd.scan.msk.f32 $0xffff, v15;
	v57 =	vnsel vm0, $0xFF7FC99E, v51  }
0x2aa: {  	v58 =	vpop (erf);
	(xrf0) =	vmax.scan.msk.f32 $0xffff, v57  }
0x2ab: {  	v20 =	vmul.f32 v58, v20  }
0x2ac: {  	[tilespmem:s6+$0xFFFFFFF8] =	vst.msk $0xff, v16;
	s20 =	sadd.s32 $0x80, s5;
	_, v19, _ =	vpop (xrf1)  }
0x2ad: {  	[tilespmem:s10+$0xFFFFFFF8] =	vst.msk $0xff, v20;
	v59 =	vadd.s32 s20, v19  }
0x2ae: {  	v20 =	vld [tilespmem:s29+$0x30]  }
0x2af: {  	v60 =	vld [tilespmem:s29+$0x10]  }
0x2b0: {  	v61 =	vld [tilespmem:s29+$0x20];
	v62, _, _ =	vpop (xrf0)  }
0x2b1: {  	v63 =	vld [tilespmem:s29+$0x0];
	v26 =	vpop (erf);
	v24 =	vbroadcast v62, $0xF  }
0x2b2: {  	v23 =	vmul.f32 v26, v39;
	v30 =	vld.idx.msk [tilespmem:v59+s14+$0x0], $0xffff  }
0x2b3: {  	s1 =	sadd.s32 $0xC0, s1;
	[tilespmem:s28+$0x0] =	vst.msk $0xff, v17;
	v31, _, _ =	vpop (xrf2);
	v32 =	vsub.f32 v51, v24  }
0x2b4: {  	s24 =	sor.u32 $0x70, s1;
	(xrf1) =	vsort.dscd.msk.f32 $0xffff, v20, v3;
	v33 =	vbroadcast v31, $0xF;
	[tilespmem:s26+$0x0] =	vst.msk $0xff, v23  }
0x2b5: {  	s9 =	sor.u32 $0x50, s1;
	(xrf1) =	vsort.dscd.msk.f32 $0xffff, v60, v1;
	v34 =	vld [tilespmem:s24+$0x0];
	v17 =	vmul.f32 $1.442695020e+00, v32;
	_, v16, _ =	vpop (xrf1)  }
0x2b6: {  	s12 =	sor.u32 $0x60, s1;
	(xrf1) =	vsort.dscd.msk.f32 $0xffff, v61, v2;
	v35 =	vld [tilespmem:s9+$0x0];
	(erf) = vrcp.f32 v33;
	v36 =	vadd.s32 s0, v16  }
0x2b7: {  	(xrf1) =	vsort.dscd.msk.f32 $0xffff, v63, v0;
	v37 =	vld [tilespmem:s12+$0x0];
	(erf) = vpow2.f32 v17;
	v38 =	vnsel vm0, $0xFF7FC99E, v30  }
0x2b8: {  	v39 =	vld [tilespmem:s17+$0x40];
	(xrf0) =	vmax.scan.msk.f32 $0xffff, v38;
	_ =	sdelay $0x1  }
0x2b9: {  	(xrf1) =	vsort.dscd.msk.f32 $0xffff, v34, v3  }
0x2ba: {  	(xrf1) =	vsort.dscd.msk.f32 $0xffff, v35, v1;
	v40 =	vld.idx.msk [tilespmem:v36+s14+$0x0], $0xffff  }
0x2bb: {  	(xrf1) =	vsort.dscd.msk.f32 $0xffff, v37, v2  }
0x2bc: {  	(xrf1) =	vsort.dscd.msk.f32 $0xffff, v39, v0  }
0x2bd: {  	v41, _, _ =	vpop (xrf0)  }
0x2be: {  	v17 =	vpop (erf);
	v21 =	vbroadcast v41, $0xF  }
0x2bf: {  	v43 =	vpop (erf);
	v42 =	vnsel vm0, $0xFF7FC99E, v40  }
0x2c0: {  	v44 =	vnsel vm0, $0x0, v43;
	(xrf0) =	vmax.scan.msk.f32 $0xffff, v42;
	v21 =	vsub.f32 v30, v21  }
0x2c1: {  	v46, v45, _ =	vpop (xrf1);
	(xrf2) =	vadd.scan.msk.f32 $0xffff, v44  }
0x2c2: {  	v23 =	vperm.xlane v46, v4;
	v47, v48, _ =	vpop (xrf1);
	v21 =	vmul.f32 $1.442695020e+00, v21  }
0x2c3: {  	v24 =	vperm.xlane v45, v4;
	v50, v49, _ =	vpop (xrf1);
	v25 =	vperm.xlane v47, v4  }
0x2c4: {  	v26 =	vperm.xlane v48, v4;
	vm1 =	vge.f32 v50, v23;
	v29, v30, _ =	vpop (xrf1);
	(erf) = vpow2.f32 v21  }
0x2c5: {  	v51 =	vsel vm1, v50, v23;
	v52 =	vsel vm1, v49, v24;
	vm1 =	vge.f32 v29, v25  }
0x2c6: {  	(xrf1) =	vsort.dscd.msk.f32 $0xffff, v51, v52;
	v53 =	vsel vm1, v29, v25;
	v54 =	vsel vm1, v30, v26;
	v55, _, _ =	vpop (xrf0)  }
0x2c7: {  	(xrf1) =	vsort.dscd.msk.f32 $0xffff, v53, v54;
	v21, v23, _ =	vpop (xrf1);
	v24 =	vbroadcast v55, $0xF  }
0x2c8: {  	v21 =	vperm.xlane v21, v4;
	v56, v57, _ =	vpop (xrf1)  }
0x2c9: {  	v23 =	vperm.xlane v23, v4;
	v58, v59, _ =	vpop (xrf1);
	v20 =	vsub.f32 v40, v24  }
0x2ca: {  	v60 =	vperm.xlane v56, v4;
	v61 =	vperm.xlane v57, v4;
	vm1 =	vge.f32 v58, v21;
	v63, v62, _ =	vpop (xrf1)  }
0x2cb: {  	v32, _, _ =	vpop (xrf2);
	v21 =	vsel vm1, v58, v21;
	v23 =	vsel vm1, v59, v23;
	v20 =	vmul.f32 $1.442695020e+00, v20  }
0x2cc: {  	vm1 =	vge.f32 v63, v60;
	v33 =	vbroadcast v32, $0xF;
	(xrf1) =	vsort.dscd.msk.f32 $0xffff, v21, v23  }
0x2cd: {  	v34 =	vsel vm1, v63, v60;
	v35 =	vsel vm1, v62, v61;
	(erf) = vpow2.f32 v20;
	v36 =	vpop (erf)  }
0x2ce: {  	(xrf1) =	vsort.dscd.msk.f32 $0xffff, v34, v35;
	(erf) = vrcp.f32 v33;
	v20 =	vnsel vm0, $0x0, v36  }
0x2cf: {  	(xrf2) =	vadd.scan.msk.f32 $0xffff, v20;
	_ =	sdelay $0x4  }
0x2d0: {  	v38, v37, _ =	vpop (xrf1)  }
0x2d1: {  	v39, v25, _ =	vpop (xrf1)  }
0x2d2: {  	v21 =	vperm.xlane v38, v4;
	v40 =	vpop (erf)  }
0x2d3: {  	v23 =	vperm.xlane v37, v4;
	v41 =	vpop (erf)  }
0x2d4: {  	vm1 =	vge.f32 v39, v21;
	v22 =	vmul.f32 v41, v44  }
0x2d5: {  	[tilespmem:s11+$0xFFFFFFF8] =	vst.msk $0xff, v18;
	v21 =	vsel vm1, v39, v21;
	v23 =	vsel vm1, v25, v23;
	v42, _, _ =	vpop (xrf2)  }
0x2d6: {  	(xrf1) =	vsort.dscd.msk.f32 $0xffff, v21, v23;
	v43, v44, _ =	vpop (xrf1);
	[tilespmem:s30+$0xFFFFFFF8] =	vst.msk $0xff, v22;
	v45 =	vbroadcast v42, $0xF  }
0x2d7: {  	v18 =	vperm.xlane v43, v4;
	v22 =	vld [tilespmem:s31+$0x30]  }
0x2d8: {  	v21 =	vperm.xlane v44, v4;
	v47, v46, _ =	vpop (xrf1);
	v48 =	vld [tilespmem:s31+$0x10];
	(erf) = vrcp.f32 v45  }
0x2d9: {  	v49 =	vld [tilespmem:s31+$0x20];
	vm1 =	vge.f32 v47, v18  }
0x2da: {  	v18 =	vsel vm1, v47, v18;
	v21 =	vsel vm1, v46, v21  }
0x2db: {  	v50 =	vld [tilespmem:s31+$0x0];
	(xrf1) =	vsort.dscd.msk.f32 $0xffff, v18, v21  }
0x2dc: {  	(xrf1) =	vsort.dscd.msk.f32 $0xffff, v22, v3  }
0x2dd: {  	(xrf1) =	vsort.dscd.msk.f32 $0xffff, v48, v1  }
0x2de: {  	(xrf1) =	vsort.dscd.msk.f32 $0xffff, v49, v2;
	_ =	sdelay $0x1  }
0x2df: {  	(xrf1) =	vsort.dscd.msk.f32 $0xffff, v50, v0  }
0x2e0: {  	v51 =	vpop (erf)  }
0x2e1: {  	v18 =	vmul.f32 v51, v20  }
0x2e2: {  	[tilespmem:s3+$0x0] =	vst.msk $0xff, v19;
	s0 =	sadd.s32 $0xC0, s5  }
0x2e3: {  	s13 =	sadd.s32 $0x80, s7;
	s17 =	sor.u32 $0x70, s0;
	_, v22, _ =	vpop (xrf1);
	[tilespmem:s4+$0x0] =	vst.msk $0xff, v18  }
0x2e4: {  	s20 =	sor.u32 $0x50, s0;
	v52 =	vadd.s32 s13, v22;
	v53 =	vld [tilespmem:s17+$0x0]  }
0x2e5: {  	s24 =	sor.u32 $0x60, s0;
	v54 =	vld [tilespmem:s20+$0x0]  }
0x2e6: {  	v55 =	vld [tilespmem:s24+$0x0]  }
0x2e7: {  	v19 =	vnsel vm0, $0x0, v40  }
0x2e8: {  	(xrf2) =	vadd.scan.msk.f32 $0xffff, v19;
	v56 =	vld [tilespmem:s25+$0x40];
	_, v18, _ =	vpop (xrf1)  }
0x2e9: {  	v57 =	vld.idx.msk [tilespmem:v52+s14+$0x0], $0xffff;
	v58, v59, _ =	vpop (xrf1);
	(xrf1) =	vsort.dscd.msk.f32 $0xffff, v53, v3  }
0x2ea: {  	v60 =	vperm.xlane v58, v4;
	v62, v61, _ =	vpop (xrf1);
	(xrf1) =	vsort.dscd.msk.f32 $0xffff, v54, v1  }
0x2eb: {  	v20 =	vperm.xlane v59, v4;
	v32, v63, _ =	vpop (xrf1);
	(xrf1) =	vsort.dscd.msk.f32 $0xffff, v55, v2  }
0x2ec: {  	v33 =	vperm.xlane v62, v4;
	v34 =	vperm.xlane v61, v4;
	vm1 =	vge.f32 v32, v60  }
0x2ed: {  	v36, v35, _ =	vpop (xrf1);
	(xrf1) =	vsort.dscd.msk.f32 $0xffff, v56, v0;
	v21 =	vsel vm1, v32, v60;
	v20 =	vsel vm1, v63, v20  }
0x2ee: {  	v37 =	vnsel vm0, $0xFF7FC99E, v57;
	vm1 =	vge.f32 v36, v33;
	(xrf1) =	vsort.dscd.msk.f32 $0xffff, v21, v20  }
0x2ef: {  	(xrf0) =	vmax.scan.msk.f32 $0xffff, v37;
	v38 =	vsel vm1, v36, v33;
	v39 =	vsel vm1, v35, v34  }
0x2f0: {  	(xrf1) =	vsort.dscd.msk.f32 $0xffff, v38, v39;
	_ =	sdelay $0x4  }
0x2f1: {  	v43, _, _ =	vpop (xrf2)  }
0x2f2: {  	v42, _, _ =	vpop (xrf0)  }
0x2f3: {  	v40 =	vadd.s32 s1, v18;
	v44, v45, _ =	vpop (xrf1)  }
0x2f4: {  	v47, v46, _ =	vpop (xrf1);
	v48 =	vperm.xlane v44, v4  }
0x2f5: {  	v23 =	vbroadcast v43, $0xF;
	v50, v49, _ =	vpop (xrf1)  }
0x2f6: {  	v20 =	vbroadcast v42, $0xF;
	vm1 =	vge.f32 v50, v48  }
0x2f7: {  	(erf) = vrcp.f32 v23;
	v26 =	vperm.xlane v45, v4;
	v52, v31, _ =	vpop (xrf1);
	v23 =	vsel vm1, v50, v48  }
0x2f8: {  	v41 =	vld.idx.msk [tilespmem:v40+s14+$0x0], $0xffff;
	v20 =	vsub.f32 v57, v20;
	v25 =	vperm.xlane v47, v4;
	v32, v33, _ =	vpop (xrf1)  }
0x2f9: {  	v27 =	vperm.xlane v46, v4;
	v53 =	vsel vm1, v49, v26;
	v54 =	vperm.xlane v32, v4  }
0x2fa: {  	v20 =	vmul.f32 $1.442695020e+00, v20;
	vm1 =	vge.f32 v52, v25;
	(xrf1) =	vsort.dscd.msk.f32 $0xffff, v23, v53;
	v55 =	vperm.xlane v33, v4;
	v23, v24, _ =	vpop (xrf1)  }
0x2fb: {  	v25 =	vsel vm1, v52, v25;
	v27 =	vsel vm1, v31, v27;
	vm1 =	vge.f32 v23, v54  }
0x2fc: {  	(erf) = vpow2.f32 v20;
	(xrf1) =	vsort.dscd.msk.f32 $0xffff, v25, v27;
	v23 =	vsel vm1, v23, v54;
	v20 =	vsel vm1, v24, v55  }
0x2fd: {  	v51 =	vnsel vm0, $0xFF7FC99E, v41;
	(xrf1) =	vsort.dscd.msk.f32 $0xffff, v23, v20  }
0x2fe: {  	(xrf0) =	vmax.scan.msk.f32 $0xffff, v51;
	_ =	sdelay $0x5  }
0x2ff: {  	v56, _, _ =	vpop (xrf0)  }
0x300: {  	v23 =	vbroadcast v56, $0xF;
	v20 =	vpop (erf)  }
0x301: {  	v57 =	vpop (erf)  }
0x302: {  	v21 =	vsub.f32 v41, v23;
	v24 =	vnsel vm0, $0x0, v57  }
0x303: {  	(xrf2) =	vadd.scan.msk.f32 $0xffff, v24  }
0x304: {  	v21 =	vmul.f32 $1.442695020e+00, v21;
	v59, v58, _ =	vpop (xrf1)  }
0x305: {  	v60, v27, _ =	vpop (xrf1)  }
0x306: {  	s5 =	sadd.s32 $0x80, s2;
	(erf) = vpow2.f32 v21;
	_, v28, _ =	vpop (xrf1)  }
0x307: {  	v61 =	vadd.s32 s5, v28;
	_ =	sdelay $0x2  }
0x308: {  	v23 =	vperm.xlane v59, v4  }
0x309: {  	v25 =	vperm.xlane v58, v4  }
0x30a: {  	vm1 =	vge.f32 v60, v23;
	v63 =	vld.idx.msk [tilespmem:v61+s14+$0x0], $0xffff  }
0x30b: {  	v32 =	vsel vm1, v60, v23;
	v33 =	vsel vm1, v27, v25;
	v62, _, _ =	vpop (xrf2)  }
0x30c: {  	(xrf1) =	vsort.dscd.msk.f32 $0xffff, v32, v33;
	v29 =	vbroadcast v62, $0xF  }
0x30d: {  	v34 =	vpop (erf)  }
0x30e: {  	v21 =	vnsel vm0, $0x0, v34;
	(erf) = vrcp.f32 v29  }
0x30f: {  	(xrf2) =	vadd.scan.msk.f32 $0xffff, v21;
	v35 =	vnsel vm0, $0xFF7FC99E, v63  }
0x310: {  	(xrf0) =	vmax.scan.msk.f32 $0xffff, v35;
	_ =	sdelay $0x5  }
0x311: {  	v37, _, _ =	vpop (xrf0)  }
0x312: {  	v36 =	vpop (erf);
	v38 =	vbroadcast v37, $0xF  }
0x313: {  	v23 =	vmul.f32 v36, v24  }
0x314: {  	s8 =	sadd.s32 $0xC0, s7;
	[tilespmem:s6+$0x0] =	vst.msk $0xff, v22;
	v39, _, _ =	vpop (xrf2);
	v41 =	vsub.f32 v63, v38  }
0x315: {  	s9 =	sor.u32 $0x70, s8;
	_, v22, _ =	vpop (xrf1);
	[tilespmem:s10+$0x0] =	vst.msk $0xff, v23;
	v23 =	vbroadcast v39, $0xF  }
0x316: {  	s12 =	sor.u32 $0x50, s8;
	v43 =	vadd.s32 s0, v22;
	v40 =	vld [tilespmem:s9+$0x0];
	v25 =	vmul.f32 $1.442695020e+00, v41  }
0x317: {  	s13 =	sor.u32 $0x60, s8;
	v42 =	vld [tilespmem:s12+$0x0];
	(erf) = vrcp.f32 v23  }
0x318: {  	v44 =	vld [tilespmem:s13+$0x0];
	(erf) = vpow2.f32 v25  }
0x319: {  	v45 =	vld [tilespmem:s29+$0x40];
	_ =	sdelay $0x1  }
0x31a: {  	v46 =	vld.idx.msk [tilespmem:v43+s14+$0x0], $0xffff;
	(xrf1) =	vsort.dscd.msk.f32 $0xffff, v40, v3  }
0x31b: {  	(xrf1) =	vsort.dscd.msk.f32 $0xffff, v42, v1  }
0x31c: {  	(xrf1) =	vsort.dscd.msk.f32 $0xffff, v44, v2  }
0x31d: {  	(xrf1) =	vsort.dscd.msk.f32 $0xffff, v45, v0;
	_ =	sdelay $0x1  }
0x31e: {  	v47 =	vnsel vm0, $0xFF7FC99E, v46;
	v23 =	vpop (erf)  }
0x31f: {  	(xrf0) =	vmax.scan.msk.f32 $0xffff, v47;
	v48 =	vpop (erf)  }
0x320: {  	v49 =	vnsel vm0, $0x0, v48  }
0x321: {  	(xrf2) =	vadd.scan.msk.f32 $0xffff, v49;
	_ =	sdelay $0x3  }
0x322: {  	v52, _, _ =	vpop (xrf0)  }
0x323: {  	v29 =	vbroadcast v52, $0xF  }
0x324: {  	v51, v50, _ =	vpop (xrf1)  }
0x325: {  	v24 =	vsub.f32 v46, v29;
	v26 =	vperm.xlane v51, v4;
	v54, v53, _ =	vpop (xrf1)  }
0x326: {  	v27 =	vperm.xlane v50, v4;
	v55, v56, _ =	vpop (xrf1)  }
0x327: {  	v24 =	vmul.f32 $1.442695020e+00, v24;
	v57 =	vperm.xlane v54, v4;
	vm1 =	vge.f32 v55, v26;
	v58, v59, _ =	vpop (xrf1)  }
0x328: {  	v31 =	vperm.xlane v53, v4;
	v26 =	vsel vm1, v55, v26;
	v27 =	vsel vm1, v56, v27;
	v60, _, _ =	vpop (xrf2)  }
0x329: {  	vm1 =	vge.f32 v58, v57;
	(xrf1) =	vsort.dscd.msk.f32 $0xffff, v26, v27;
	v61 =	vbroadcast v60, $0xF  }
0x32a: {  	(erf) = vpow2.f32 v24;
	v62 =	vsel vm1, v58, v57;
	v63 =	vsel vm1, v59, v31  }
0x32b: {  	(xrf1) =	vsort.dscd.msk.f32 $0xffff, v62, v63;
	(erf) = vrcp.f32 v61;
	_ =	sdelay $0x7  }
0x32c: {  	v24 =	vpop (erf)  }
0x32d: {  	v26 =	vpop (erf)  }
0x32e: {  	v25 =	vmul.f32 v26, v49  }
0x32f: {  	s17 =	sadd.s32 $0xC0, s2;
	[tilespmem:s11+$0x0] =	vst.msk $0xff, v28  }
0x330: {  	s2 =	sor.u32 $0x70, s17;
	v32, v31, _ =	vpop (xrf1);
	[tilespmem:s30+$0x0] =	vst.msk $0xff, v25  }
0x331: {  	s20 =	sor.u32 $0x50, s17;
	v33 =	vperm.xlane v32, v4;
	v34 =	vld [tilespmem:s2+$0x0]  }
0x332: {  	s24 =	sor.u32 $0x60, s17;
	v27 =	vperm.xlane v31, v4;
	v35, v29, _ =	vpop (xrf1);
	v36 =	vld [tilespmem:s20+$0x0]  }
0x333: {  	vm1 =	vge.f32 v35, v33;
	v37 =	vld [tilespmem:s24+$0x0]  }
0x334: {  	v27 =	vsel vm1, v29, v27;
	v25 =	vsel vm1, v35, v33  }
0x335: {  	v38 =	vld [tilespmem:s31+$0x40];
	(xrf1) =	vsort.dscd.msk.f32 $0xffff, v25, v27  }
0x336: {  	(xrf1) =	vsort.dscd.msk.f32 $0xffff, v34, v3  }
0x337: {  	(xrf1) =	vsort.dscd.msk.f32 $0xffff, v36, v1  }
0x338: {  	(xrf1) =	vsort.dscd.msk.f32 $0xffff, v37, v2;
	_ =	sdelay $0x1  }
0x339: {  	(xrf1) =	vsort.dscd.msk.f32 $0xffff, v38, v0;
	_ =	sdelay $0x8  }
0x33a: {  	_, v25, _ =	vpop (xrf1)  }
0x33b: {  	v26, v39, _ =	vpop (xrf1)  }
0x33c: {  	v26 =	vperm.xlane v26, v4;
	v41, v40, _ =	vpop (xrf1)  }
0x33d: {  	v27 =	vperm.xlane v39, v4;
	v42, v31, _ =	vpop (xrf1)  }
0x33e: {  	v28 =	vperm.xlane v41, v4;
	vm1 =	vge.f32 v42, v26  }
0x33f: {  	v29 =	vperm.xlane v40, v4;
	v43, v44, _ =	vpop (xrf1);
	v26 =	vsel vm1, v42, v26;
	v27 =	vsel vm1, v31, v27  }
0x340: {  	vm1 =	vge.f32 v43, v28;
	(xrf1) =	vsort.dscd.msk.f32 $0xffff, v26, v27  }
0x341: {  	v45 =	vsel vm1, v43, v28;
	v46 =	vsel vm1, v44, v29  }
0x342: {  	(xrf1) =	vsort.dscd.msk.f32 $0xffff, v45, v46;
	_ =	sdelay $0x6  }
0x343: {  	v47 =	vadd.s32 s8, v25;
	_ =	sdelay $0x4  }
0x344: {  	v26 =	vld.idx.msk [tilespmem:v47+s14+$0x0], $0xffff;
	v49, v48, _ =	vpop (xrf1)  }
0x345: {  	v27 =	vperm.xlane v49, v4  }
0x346: {  	v28 =	vperm.xlane v48, v4;
	v51, v50, _ =	vpop (xrf1)  }
0x347: {  	v24 =	vnsel vm0, $0x0, v24;
	vm1 =	vge.f32 v51, v27  }
0x348: {  	(xrf2) =	vadd.scan.msk.f32 $0xffff, v24;
	v27 =	vsel vm1, v51, v27;
	v28 =	vsel vm1, v50, v28  }
0x349: {  	v52 =	vnsel vm0, $0xFF7FC99E, v26;
	(xrf1) =	vsort.dscd.msk.f32 $0xffff, v27, v28  }
0x34a: {  	(xrf0) =	vmax.scan.msk.f32 $0xffff, v52;
	_ =	sdelay $0x5  }
0x34b: {  	v53, _, _ =	vpop (xrf0)  }
0x34c: {  	v27 =	vbroadcast v53, $0xF;
	_ =	sdelay $0x1  }
0x34d: {  	v54, _, _ =	vpop (xrf2);
	v26 =	vsub.f32 v26, v27  }
0x34e: {  	v55 =	vbroadcast v54, $0xF  }
0x34f: {  	v26 =	vmul.f32 $1.442695020e+00, v26  }
0x350: {  	(erf) = vrcp.f32 v55  }
0x351: {  	(erf) = vpow2.f32 v26;
	_, v56, _ =	vpop (xrf1)  }
0x352: {  	v57 =	vadd.s32 s17, v56;
	_ =	sdelay $0x4  }
0x353: {  	v27 =	vld.idx.msk [tilespmem:v57+s14+$0x0], $0xffff;
	_ =	sdelay $0x1  }
0x354: {  	v58 =	vpop (erf)  }
0x355: {  	v59 =	vpop (erf)  }
0x356: {  	v29 =	vnsel vm0, $0x0, v59  }
0x357: {  	(xrf2) =	vadd.scan.msk.f32 $0xffff, v29;
	v60 =	vnsel vm0, $0xFF7FC99E, v27  }
0x358: {  	(xrf0) =	vmax.scan.msk.f32 $0xffff, v60;
	_ =	sdelay $0x5  }
0x359: {  	v30, _, _ =	vpop (xrf0)  }
0x35a: {  	v30 =	vbroadcast v30, $0xF;
	_ =	sdelay $0x1  }
0x35b: {  	v61, _, _ =	vpop (xrf2);
	v27 =	vsub.f32 v27, v30  }
0x35c: {  	v30 =	vbroadcast v61, $0xF  }
0x35d: {  	v27 =	vmul.f32 $1.442695020e+00, v27  }
0x35e: {  	(erf) = vrcp.f32 v30  }
0x35f: {  	(erf) = vpow2.f32 v27;
	_ =	sdelay $0x7  }
0x360: {  	v62 =	vpop (erf)  }
0x361: {  	v63 =	vpop (erf)  }
0x362: {  	v30 =	vnsel vm0, $0x0, v63  }
0x363: {  	(xrf2) =	vadd.scan.msk.f32 $0xffff, v30;
	_ =	sdelay $0x4  }
0x364: {  	s25 =	rddreg [dreg:$0x3]  }
0x365: {  	v6 =	vmul.f32 v8, v6;
	[tilespmem:s25+$0x8] =	vst.msk $0xff, v5  }
0x366: {  	s0 =	rddreg [dreg:$0x4]  }
0x367: {  	[tilespmem:s0+$0x8] =	vst.msk $0xff, v6  }
0x368: {  	v5 =	vmul.f32 v11, v9;
	s0 =	rddreg [dreg:$0x5]  }
0x369: {  	[tilespmem:s0+$0x8] =	vst.msk $0xff, v7;
	v6, _, _ =	vpop (xrf2)  }
0x36a: {  	[tilespmem:s16+$0x8] =	vst.msk $0xff, v5;
	v5 =	vmul.f32 v14, v12;
	v6 =	vbroadcast v6, $0xF  }
0x36b: {  	[tilespmem:s15+$0x8] =	vst.msk $0xff, v10  }
0x36c: {  	[tilespmem:s18+$0x8] =	vst.msk $0xff, v5;
	v5 =	vmul.f32 v17, v15;
	(erf) = vrcp.f32 v6  }
0x36d: {  	[tilespmem:s23+$0x8] =	vst.msk $0xff, v13  }
0x36e: {  	[tilespmem:s19+$0x8] =	vst.msk $0xff, v5;
	v5 =	vmul.f32 v20, v19  }
0x36f: {  	[tilespmem:s21+$0x8] =	vst.msk $0xff, v16  }
0x370: {  	[tilespmem:s22+$0x8] =	vst.msk $0xff, v5;
	v5 =	vmul.f32 v23, v21  }
0x371: {  	[tilespmem:s28+$0x8] =	vst.msk $0xff, v18  }
0x372: {  	[tilespmem:s26+$0x8] =	vst.msk $0xff, v5;
	v5 =	vmul.f32 v58, v24  }
0x373: {  	[tilespmem:s3+$0x8] =	vst.msk $0xff, v22  }
0x374: {  	[tilespmem:s4+$0x8] =	vst.msk $0xff, v5;
	v5 =	vmul.f32 v62, v29  }
0x375: {  	[tilespmem:s6+$0x8] =	vst.msk $0xff, v25;
	v6 =	vpop (erf)  }
0x376: {  	[tilespmem:s10+$0x8] =	vst.msk $0xff, v5;
	v5 =	vmul.f32 v6, v30  }
0x377: {  	[tilespmem:s11+$0x8] =	vst.msk $0xff, v56  }
0x378: {  	s1 =	simm.s32 $0x1;
	[tilespmem:s30+$0x8] =	vst.msk $0xff, v5  }
0x379: {  	s26 =	simm.s32 $0x8000;
	s6 =	simm.s32 $0x0;
	s0 =	rddreg [dreg:$0x8]  }
0x37a: {  	[hbm4b:s0+s6] =	stream.linear.scatter [tilespmem:s26], [sflag:$0x1], $0x800, $0x38;
	[tilespmem:$0x9100] =	vst v63  }
0x37b: {  	_ =	swait.ge [sflag:s1], $0x800  }
0x37c: {  	[sflag:s1] =	ssyncset.done $0x0  }
0x37d: {  	s29 =	simm.s32 $0x8880;
	s28 =	rddreg [dreg:$0x9];
	[sflag:s1] =	ssyncadd.s32 $0xFFFFF800  }
0x37e: {  	[hbm4b:s28+s6] =	stream.linear.scatter [tilespmem:s29], [sflag:$0x1], $0x800, $0x38;
	[tilespmem:$0x9100] =	vst v63  }
0x37f: {  	_ =	swait.ge [sflag:s1], $0x800  }
0x380: {  	s30 =	rddreg [dreg:$0xb]  }
0x381: {  	s31 =	rddreg [dreg:$0xa];
	s2 =	sadd.s32 $0x1, s30  }
0x382: {  	p0 =	sne.s32 s2, s31  }
.Ltmp1:
0x383: {  	_ = 	snop;
	(pc) =	sbr.rel @p0 .LBB2_1-.Ltmp1, $3  }
0x384: {  	_ =	sdelay $0x1  }
0x385: {  	[sflag:s1] =	ssyncset.done $0x0  }
0x386: {  	[sflag:s1] =	ssyncadd.s32 $0xFFFFF800  }
0x387: {  	_ =	sfence.sel $0x180000  }
0x388: {  	[bflag:$0x0] =	sbarrier.arrive $0xFFFF  }
0x389: {  	_ =	strace $0x90000047  }
0x38a: {  	s0 =	stileid.u32;
	[bflag:$0x2] =	sbarrier.arrive $0xFFFF  }
0x38b: {  	p0 =	sne.s32 s0, $0x0;
	s0 =	rddreg [dreg:$0x2]  }
0x38c: {  	s0 =	sadd.s32 @!p0 $0x100000, s0  }
0x38d: {  	[sflag:s0] =	ssyncadd.tile.s32 @!p0 $0x1;
	_ =	shalt  }
.Lfunc_end2:
_tile_overlayer_lowered:
.L_overlay_start_2:
0x38e: {  	(tag) =	ssettag $0x2  }
0x38f: {  	s0 =	rddreg [dreg:$0x0];
	s2 =	stileid.u32  }
0x390: {  	s1 =	rddreg [dreg:$0x1];
	p0 =	sne.s32 s2, $0x0  }
0x391: {  	s3 =	rddreg [dreg:$0x2];
	[bflag:$0x3] =	sbarrier.arrive $0xFFFF;
	s2 =	simm.s32 @!p0 $0x1C02  }
0x392: {  	[timem:s3], [sflag:s2] =	dma.local @!p0 [hbm:s0], s1  }
0x393: {  	s0 =	simm.s32 @!p0 $0x2  }
0x394: {  	_ =	swait.ge @!p0 [sflag:s0], s1  }
0x395: {  	s1 =	ssub.s32 @!p0 $0x0, s1;
	[sflag:s0] =	ssyncset.done @!p0 $0x0  }
0x396: {  	[sflag:s0] =	ssyncadd.s32 @!p0 s1  }
0x397: {  	[bflag:$0x3] =	sbarrier.arrive $0xFFFF  }
0x398: {  	_ =	shalt  }

</sc_bundles>
